<compile_context>
chip_gen: v7x
topology: tpu7x:2x2x1
jax: 0.10.2.dev20260603
libtpu: 0.0.44.dev20260713+nightly
codegen_flags: <defaults>
</compile_context>

<pallas_src>
import functools

import jax
import jax.numpy as jnp
from jax import lax
from jax.experimental import pallas as pl
from jax.experimental.pallas import tpu as pltpu
from jax.experimental.pallas import tpu_sc as plsc

E = 8
TOP_K = 2
HIDDEN = 1024
INTER = 1024
T = 2048
CAP = 768
STRIDE = 1024
NSLOT_IN = E * STRIDE
NSLOT_OUT = E * CAP

NC, NS = 2, 16
NW = NC * NS
TPW = T // NW
CPW = 32



def _routing_body(lg_ref, ds0_ref, ds1_ref, do0_ref, do1_ref, wr0_ref, wr1_ref):
    lg = lg_ref[:]
    ecol = lax.broadcasted_iota(jnp.int32, (T, E), 1)
    m1 = jnp.max(lg, axis=1, keepdims=True)
    i1 = jnp.min(jnp.where(lg == m1, ecol, E), axis=1, keepdims=True)
    lg2 = jnp.where(ecol == i1, -jnp.inf, lg)
    m2 = jnp.max(lg2, axis=1, keepdims=True)
    i2 = jnp.min(jnp.where(lg2 == m2, ecol, E), axis=1, keepdims=True)
    w1 = 1.0 / (1.0 + jnp.exp(m2 - m1))
    w2 = 1.0 - w1
    cnt = (ecol == i1).astype(jnp.int32) + (ecol == i2).astype(jnp.int32)
    s = cnt
    k = 1
    while k < T:
        s = s + jnp.concatenate([jnp.zeros((k, E), jnp.int32), s[: T - k]], axis=0)
        k *= 2
    s_excl = s - cnt
    pos0 = jnp.sum(jnp.where(ecol == i1, s_excl, 0), axis=1, keepdims=True)
    pos1 = jnp.sum(jnp.where(ecol == i2, s_excl, 0), axis=1, keepdims=True)
    keep0 = pos0 < CAP
    keep1 = pos1 < CAP
    ds0_ref[:] = i1 * STRIDE + jnp.minimum(pos0, STRIDE - 1)
    ds1_ref[:] = i2 * STRIDE + jnp.minimum(pos1, STRIDE - 1)
    safe = i1[0:1, 0:1] * CAP
    do0_ref[:] = jnp.where(keep0, i1 * CAP + pos0, safe)
    do1_ref[:] = jnp.where(keep1, i2 * CAP + pos1, safe)
    wr0_ref[:] = jnp.where(keep0, w1, 0.0)
    wr1_ref[:] = jnp.where(keep1, w2, 0.0)


def _routing(router_logits, interpret=False):
    return pl.pallas_call(
        _routing_body,
        out_shape=[
            jax.ShapeDtypeStruct((T, 1), jnp.int32),
            jax.ShapeDtypeStruct((T, 1), jnp.int32),
            jax.ShapeDtypeStruct((T, 1), jnp.int32),
            jax.ShapeDtypeStruct((T, 1), jnp.int32),
            jax.ShapeDtypeStruct((T, 1), jnp.float32),
            jax.ShapeDtypeStruct((T, 1), jnp.float32),
        ],
        interpret=interpret,
    )(router_logits)



def _dispatch_body(x_hbm, ds0_hbm, ds1_hbm, eb_hbm, rows_v, d0_v, d1_v, sem):
    wid = lax.axis_index("s") * NC + lax.axis_index("c")
    t0 = wid * TPW
    pltpu.sync_copy(ds0_hbm.at[pl.ds(t0, TPW)], d0_v)
    pltpu.sync_copy(ds1_hbm.at[pl.ds(t0, TPW)], d1_v)
    pltpu.sync_copy(x_hbm.at[pl.ds(t0, TPW)], rows_v)
    cp0 = pltpu.async_copy(rows_v, eb_hbm.at[d0_v], sem)
    cp1 = pltpu.async_copy(rows_v, eb_hbm.at[d1_v], sem)
    cp0.wait()
    cp1.wait()


def _dispatch(x, ds0, ds1):
    mesh = plsc.VectorSubcoreMesh(core_axis_name="c", subcore_axis_name="s")
    f = functools.partial(
        pl.kernel,
        mesh=mesh,
        out_type=jax.ShapeDtypeStruct((NSLOT_IN, HIDDEN), jnp.float32),
        scratch_types=[
            pltpu.VMEM((TPW, HIDDEN), jnp.float32),
            pltpu.VMEM((TPW,), jnp.int32),
            pltpu.VMEM((TPW,), jnp.int32),
            pltpu.SemaphoreType.DMA,
        ],
    )(_dispatch_body)
    return f(x, ds0, ds1)



NF = 4
FC = INTER // NF


def _rne16(v):
    u = lax.bitcast_convert_type(v, jnp.uint32)
    return u + jnp.uint32(0x7FFF) + ((u >> 16) & jnp.uint32(1))


def _ffn_body(a_ref, wg_ref, wu_ref, w2_ref, o_ref, a16_ref, acc_ref):
    f = pl.program_id(1)

    @pl.when(f == 0)
    def _():
        a16_ref[:] = a_ref[0].astype(jnp.bfloat16)

    a16 = a16_ref[:]
    g = lax.dot_general(a16, wg_ref[0].astype(jnp.bfloat16),
                        (((1,), (1,)), ((), ())),
                        preferred_element_type=jnp.float32)
    u = lax.dot_general(a16, wu_ref[0].astype(jnp.bfloat16),
                        (((1,), (1,)), ((), ())),
                        preferred_element_type=jnp.float32)
    act = (g * jax.nn.sigmoid(g) * u).astype(jnp.bfloat16)
    part = lax.dot_general(act, w2_ref[0].astype(jnp.bfloat16),
                           (((1,), (1,)), ((), ())),
                           preferred_element_type=jnp.float32)

    @pl.when(f == 0)
    def _():
        acc_ref[:] = part

    @pl.when(f > 0)
    def _():
        acc_ref[:] = acc_ref[:] + part

    @pl.when(f == NF - 1)
    def _():
        acc = acc_ref[:]
        hi = _rne16(acc[:, :HIDDEN // 2]) & jnp.uint32(0xFFFF0000)
        lo = _rne16(acc[:, HIDDEN // 2:]) >> 16
        o_ref[0] = lax.bitcast_convert_type(hi | lo, jnp.int32)


def _ffn(eb3, w3_w1, w2, interpret=False):
    return pl.pallas_call(
        _ffn_body,
        grid=(E, NF),
        in_specs=[
            pl.BlockSpec((1, CAP, HIDDEN), lambda e, f: (e, 0, 0)),
            pl.BlockSpec((1, FC, HIDDEN), lambda e, f: (e, f, 0)),
            pl.BlockSpec((1, FC, HIDDEN), lambda e, f: (e, NF + f, 0)),
            pl.BlockSpec((1, HIDDEN, FC), lambda e, f: (e, 0, f)),
        ],
        out_specs=pl.BlockSpec((1, CAP, HIDDEN // 2), lambda e, f: (e, 0, 0)),
        out_shape=jax.ShapeDtypeStruct((E, CAP, HIDDEN // 2), jnp.int32),
        scratch_shapes=[pltpu.VMEM((CAP, HIDDEN), jnp.bfloat16),
                        pltpu.VMEM((CAP, HIDDEN), jnp.float32)],
        interpret=interpret,
    )(eb3, w3_w1, w3_w1, w2)



def _gather_body(eo_hbm, do0_hbm, do1_hbm, r0_hbm, r1_hbm,
                 r0_v, r1_v, i0_v, i1_v, sem):
    wid = lax.axis_index("s") * NC + lax.axis_index("c")
    t0 = wid * TPW
    pltpu.sync_copy(do0_hbm.at[pl.ds(t0, TPW)], i0_v)
    pltpu.sync_copy(do1_hbm.at[pl.ds(t0, TPW)], i1_v)
    cp0 = pltpu.async_copy(eo_hbm.at[i0_v], r0_v, sem)
    cp1 = pltpu.async_copy(eo_hbm.at[i1_v], r1_v, sem)
    cp0.wait()
    pltpu.sync_copy(r0_v, r0_hbm.at[pl.ds(t0, TPW)])
    cp1.wait()
    pltpu.sync_copy(r1_v, r1_hbm.at[pl.ds(t0, TPW)])


def _gather(eo, do0, do1):
    mesh = plsc.VectorSubcoreMesh(core_axis_name="c", subcore_axis_name="s")
    f = functools.partial(
        pl.kernel,
        mesh=mesh,
        out_type=[jax.ShapeDtypeStruct((T, HIDDEN // 2), jnp.int32),
                  jax.ShapeDtypeStruct((T, HIDDEN // 2), jnp.int32)],
        scratch_types=[
            pltpu.VMEM((TPW, HIDDEN // 2), jnp.int32),
            pltpu.VMEM((TPW, HIDDEN // 2), jnp.int32),
            pltpu.VMEM((TPW,), jnp.int32),
            pltpu.VMEM((TPW,), jnp.int32),
            pltpu.SemaphoreType.DMA,
        ],
    )(_gather_body)
    return f(eo, do0, do1)


BT = 512


def _epilogue_body(r0_ref, r1_ref, w0_ref, w1_ref, y_ref):
    def unpk(v):
        u = lax.bitcast_convert_type(v, jnp.uint32)
        hi = lax.bitcast_convert_type(u & jnp.uint32(0xFFFF0000), jnp.float32)
        lo = lax.bitcast_convert_type(u << 16, jnp.float32)
        return hi, lo

    h0, l0 = unpk(r0_ref[:])
    h1, l1 = unpk(r1_ref[:])
    w0 = w0_ref[:]
    w1 = w1_ref[:]
    y_ref[:, :HIDDEN // 2] = h0 * w0 + h1 * w1
    y_ref[:, HIDDEN // 2:] = l0 * w0 + l1 * w1


def _epilogue(r0, r1, wc0, wc1, interpret=False):
    return pl.pallas_call(
        _epilogue_body,
        grid=(T // BT,),
        in_specs=[
            pl.BlockSpec((BT, HIDDEN // 2), lambda i: (i, 0)),
            pl.BlockSpec((BT, HIDDEN // 2), lambda i: (i, 0)),
            pl.BlockSpec((BT, 1), lambda i: (i, 0)),
            pl.BlockSpec((BT, 1), lambda i: (i, 0)),
        ],
        out_specs=pl.BlockSpec((BT, HIDDEN), lambda i: (i, 0)),
        out_shape=jax.ShapeDtypeStruct((T, HIDDEN), jnp.float32),
        interpret=interpret,
    )(r0, r1, wc0, wc1)



def kernel(x, router_logits, w3_w1, w2):
    ds0, ds1, do0, do1, wc0, wc1 = _routing(router_logits)
    eb = _dispatch(x, ds0.reshape(T), ds1.reshape(T))
    eo = _ffn(eb.reshape(E, STRIDE, HIDDEN), w3_w1, w2)
    r0, r1 = _gather(eo.reshape(NSLOT_OUT, HIDDEN // 2),
                     do0.reshape(T), do1.reshape(T))
    return _epilogue(r0, r1, wc0, wc1)

# --- scband reference (transcript-rebuilt; emitter-appended) ---
"""Pipeline reference for scband-wide-epmo-ecompute-simulator-35218731827682 (READ-ONLY COPY).

The authoritative reference and input builder live on the scoring server;
editing this copy changes nothing except your own understanding.
"""

import jax, jax.numpy as jnp
import numpy as np

E = 8
TOP_K = 2
HIDDEN = 1024
INTER = 1024
T = 2048
CAPACITY = 768  # ceil(T*TOP_K/E * 1.5 capacity factor)


def setup_inputs(seed: int = 0) -> dict:
    key = jax.random.key(seed)
    k1, k2, k3, k4 = jax.random.split(key, 4)
    x = jax.random.normal(k1, (T, HIDDEN), dtype=jnp.float32)
    router_logits = jax.random.normal(k2, (T, E), dtype=jnp.float32)
    # fused gate+up projection weight (w3_w1): [E, 2*inter, hidden]
    w3_w1 = jax.random.normal(k3, (E, 2 * INTER, HIDDEN), dtype=jnp.float32) * 0.02
    # down projection weight (w2): [E, hidden, inter]
    w2 = jax.random.normal(k4, (E, HIDDEN, INTER), dtype=jnp.float32) * 0.02
    return {"x": x, "router_logits": router_logits, "w3_w1": w3_w1, "w2": w2}


def reference(x, router_logits, w3_w1, w2):
    Tn, d = x.shape
    nE = w3_w1.shape[0]
    # renormalize top-k routing (softmax over selected logits)
    topv, topi = jax.lax.top_k(router_logits, TOP_K)
    route_w = jax.nn.softmax(topv, axis=-1)
    flat_e = topi.reshape(-1)                      # [T*k]
    flat_w = route_w.reshape(-1)                   # [T*k]
    flat_tok = jnp.repeat(jnp.arange(Tn), TOP_K)   # [T*k]
    # position of each assignment within its expert (capacity dispatch)
    onehot = jax.nn.one_hot(flat_e, nE, dtype=jnp.int32)
    pos = jnp.cumsum(onehot, axis=0) - 1
    pos_in_e = jnp.sum(pos * onehot, axis=1)
    keep = pos_in_e < CAPACITY
    dest = jnp.where(keep, flat_e * CAPACITY + pos_in_e, nE * CAPACITY)
    # scatter tokens into expert buffers (last row is overflow dump)
    buf = jnp.zeros((nE * CAPACITY + 1, d), x.dtype).at[dest].set(x[flat_tok])
    expert_in = buf[:nE * CAPACITY].reshape(nE, CAPACITY, d)
    # fused gate+up matmul then swiglu (activation_type=5, gated)
    h = jnp.einsum('ecd,efd->ecf', expert_in, w3_w1)
    g, u = jnp.split(h, 2, axis=-1)
    act = jax.nn.silu(g) * u
    # down projection
    eo = jnp.einsum('ecf,edf->ecd', act, w2)
    flat_out = jnp.concatenate([eo.reshape(nE * CAPACITY, d), jnp.zeros((1, d), x.dtype)], axis=0)
    gathered = flat_out[dest] * flat_w[:, None] * keep[:, None].astype(x.dtype)
    # combine back to token order
    y = jnp.zeros((Tn, d), x.dtype).at[flat_tok].add(gathered)
    return y

if __name__ == "__main__":
    import jax
    _d = setup_inputs()
    print(jax.jit(kernel)(*tuple(_d.values())))

</pallas_src>

<mosaic_0001>
#map = affine_map<(d0, d1) -> (0, 0)>
#map1 = affine_map<(d0, d1) -> (0)>
module attributes {stable_mosaic.version = 14 : i64} {
  func.func @_dispatch_body(%arg0: i32, %arg1: i32, %arg2: memref<2048x1024xf32, #tpu.memory_space<hbm>>, %arg3: memref<2048xi32, #tpu.memory_space<hbm>>, %arg4: memref<2048xi32, #tpu.memory_space<hbm>>, %arg5: memref<8192x1024xf32, #tpu.memory_space<hbm>>, %arg6: memref<64x1024xf32, #tpu.memory_space<vmem>>, %arg7: memref<64xi32, #tpu.memory_space<vmem>>, %arg8: memref<64xi32, #tpu.memory_space<vmem>>, %arg9: memref<!tpu.dma_semaphore, #tpu.memory_space<semaphore_mem>>) attributes {dimension_semantics = [#tpu.dimension_semantics<core_parallel>, #tpu.dimension_semantics<subcore_parallel>], iteration_bounds = array<i64: 2, 16>, scalar_prefetch = 0 : i64, scratch_operands = 4 : i64, tpu.core_type = #tpu.core_type<sc_vector_subcore>, window_params = [{transform_indices = #map}, {transform_indices = #map1}, {transform_indices = #map1}, {transform_indices = #map}]} {
    %mul3A = arith.constant 2 : i32
    %mul3A_0 = arith.muli %arg1, %mul3A : i32
    %add3A = arith.addi %mul3A_0, %arg0 : i32
    %mul3A_1 = arith.constant 64 : i32
    %mul3A_2 = arith.muli %add3A, %mul3A_1 : i32
    "tpu.region"() ({
      %run_scoped3A = tpu.sem_alloc : memref<!tpu.dma_semaphore, #tpu.memory_space<semaphore_mem>>
      %dma_start3A_13 = tpu.memref_slice %arg3[%mul3A_2] : memref<2048xi32, #tpu.memory_space<hbm>> -> memref<64xi32, #tpu.memory_space<hbm>>
      %dma_start3A_14 = tpu.memref_slice %arg3[%mul3A_2] : memref<2048xi32, #tpu.memory_space<hbm>> -> memref<64xi32, #tpu.memory_space<hbm>>
      tpu.enqueue_dma source(%dma_start3A_14 : memref<64xi32, #tpu.memory_space<hbm>>) target(%arg7 : memref<64xi32, #tpu.memory_space<vmem>>) target_semaphore(%run_scoped3A : memref<!tpu.dma_semaphore, #tpu.memory_space<semaphore_mem>>)
      %dma_wait3A_15 = tpu.memref_slice %arg3[%mul3A_2] : memref<2048xi32, #tpu.memory_space<hbm>> -> memref<64xi32, #tpu.memory_space<hbm>>
      %dma_wait3A_16 = tpu.memref_slice %arg3[%mul3A_2] : memref<2048xi32, #tpu.memory_space<hbm>> -> memref<64xi32, #tpu.memory_space<hbm>>
      tpu.wait_dma2 semaphore(%run_scoped3A : memref<!tpu.dma_semaphore, #tpu.memory_space<semaphore_mem>>) src(%dma_wait3A_16 : memref<64xi32, #tpu.memory_space<hbm>>) dst(%arg7 : memref<64xi32, #tpu.memory_space<vmem>>)
      tpu.yield
    }) : () -> ()
    "tpu.region"() ({
      %run_scoped3A = tpu.sem_alloc : memref<!tpu.dma_semaphore, #tpu.memory_space<semaphore_mem>>
      %dma_start3A_13 = tpu.memref_slice %arg4[%mul3A_2] : memref<2048xi32, #tpu.memory_space<hbm>> -> memref<64xi32, #tpu.memory_space<hbm>>
      %dma_start3A_14 = tpu.memref_slice %arg4[%mul3A_2] : memref<2048xi32, #tpu.memory_space<hbm>> -> memref<64xi32, #tpu.memory_space<hbm>>
      tpu.enqueue_dma source(%dma_start3A_14 : memref<64xi32, #tpu.memory_space<hbm>>) target(%arg8 : memref<64xi32, #tpu.memory_space<vmem>>) target_semaphore(%run_scoped3A : memref<!tpu.dma_semaphore, #tpu.memory_space<semaphore_mem>>)
      %dma_wait3A_15 = tpu.memref_slice %arg4[%mul3A_2] : memref<2048xi32, #tpu.memory_space<hbm>> -> memref<64xi32, #tpu.memory_space<hbm>>
      %dma_wait3A_16 = tpu.memref_slice %arg4[%mul3A_2] : memref<2048xi32, #tpu.memory_space<hbm>> -> memref<64xi32, #tpu.memory_space<hbm>>
      tpu.wait_dma2 semaphore(%run_scoped3A : memref<!tpu.dma_semaphore, #tpu.memory_space<semaphore_mem>>) src(%dma_wait3A_16 : memref<64xi32, #tpu.memory_space<hbm>>) dst(%arg8 : memref<64xi32, #tpu.memory_space<vmem>>)
      tpu.yield
    }) : () -> ()
    "tpu.region"() ({
      %run_scoped3A = tpu.sem_alloc : memref<!tpu.dma_semaphore, #tpu.memory_space<semaphore_mem>>
      %dma_start3A_13 = arith.constant 0 : i32
      %dma_start3A_14 = tpu.memref_slice %arg2[%mul3A_2, %dma_start3A_13] : memref<2048x1024xf32, #tpu.memory_space<hbm>> -> memref<64x1024xf32, #tpu.memory_space<hbm>>
      %dma_start3A_15 = arith.constant 0 : i32
      %dma_start3A_16 = tpu.memref_slice %arg2[%mul3A_2, %dma_start3A_15] : memref<2048x1024xf32, #tpu.memory_space<hbm>> -> memref<64x1024xf32, #tpu.memory_space<hbm>>
      tpu.enqueue_dma source(%dma_start3A_16 : memref<64x1024xf32, #tpu.memory_space<hbm>>) target(%arg6 : memref<64x1024xf32, #tpu.memory_space<vmem>>) target_semaphore(%run_scoped3A : memref<!tpu.dma_semaphore, #tpu.memory_space<semaphore_mem>>)
      %dma_wait3A_17 = arith.constant 0 : i32
      %dma_wait3A_18 = tpu.memref_slice %arg2[%mul3A_2, %dma_wait3A_17] : memref<2048x1024xf32, #tpu.memory_space<hbm>> -> memref<64x1024xf32, #tpu.memory_space<hbm>>
      %dma_wait3A_19 = arith.constant 0 : i32
      %dma_wait3A_20 = tpu.memref_slice %arg2[%mul3A_2, %dma_wait3A_19] : memref<2048x1024xf32, #tpu.memory_space<hbm>> -> memref<64x1024xf32, #tpu.memory_space<hbm>>
      tpu.wait_dma2 semaphore(%run_scoped3A : memref<!tpu.dma_semaphore, #tpu.memory_space<semaphore_mem>>) src(%dma_wait3A_20 : memref<64x1024xf32, #tpu.memory_space<hbm>>) dst(%arg6 : memref<64x1024xf32, #tpu.memory_space<vmem>>)
      tpu.yield
    }) : () -> ()
    %dma_start3A = arith.constant 0 : i32
    %dma_start3A_3 = arith.constant 0 : i32
    %dma_start3A_4 = tpu.memref_slice %arg5[%dma_start3A, %dma_start3A_3] : memref<8192x1024xf32, #tpu.memory_space<hbm>> -> memref<8192x1024xf32, #tpu.memory_space<hbm>>
    tpu.enqueue_indirect_dma source(%arg6 : memref<64x1024xf32, #tpu.memory_space<vmem>>) target(%dma_start3A_4 : memref<8192x1024xf32, #tpu.memory_space<hbm>>) offsets(%arg7 : memref<64xi32, #tpu.memory_space<vmem>>) semaphore(%arg9 : memref<!tpu.dma_semaphore, #tpu.memory_space<semaphore_mem>>)
    %dma_start3A_5 = arith.constant 0 : i32
    %dma_start3A_6 = arith.constant 0 : i32
    %dma_start3A_7 = tpu.memref_slice %arg5[%dma_start3A_5, %dma_start3A_6] : memref<8192x1024xf32, #tpu.memory_space<hbm>> -> memref<8192x1024xf32, #tpu.memory_space<hbm>>
    tpu.enqueue_indirect_dma source(%arg6 : memref<64x1024xf32, #tpu.memory_space<vmem>>) target(%dma_start3A_7 : memref<8192x1024xf32, #tpu.memory_space<hbm>>) offsets(%arg8 : memref<64xi32, #tpu.memory_space<vmem>>) semaphore(%arg9 : memref<!tpu.dma_semaphore, #tpu.memory_space<semaphore_mem>>)
    %dma_wait3A = arith.constant 0 : i32
    %dma_wait3A_8 = arith.constant 0 : i32
    %dma_wait3A_9 = tpu.memref_slice %arg5[%dma_wait3A, %dma_wait3A_8] : memref<8192x1024xf32, #tpu.memory_space<hbm>> -> memref<8192x1024xf32, #tpu.memory_space<hbm>>
    tpu.wait_indirect_dma semaphore(%arg9 : memref<!tpu.dma_semaphore, #tpu.memory_space<semaphore_mem>>) src(%arg6 : memref<64x1024xf32, #tpu.memory_space<vmem>>) dst(%dma_wait3A_9 : memref<8192x1024xf32, #tpu.memory_space<hbm>>)
    %dma_wait3A_10 = arith.constant 0 : i32
    %dma_wait3A_11 = arith.constant 0 : i32
    %dma_wait3A_12 = tpu.memref_slice %arg5[%dma_wait3A_10, %dma_wait3A_11] : memref<8192x1024xf32, #tpu.memory_space<hbm>> -> memref<8192x1024xf32, #tpu.memory_space<hbm>>
    tpu.wait_indirect_dma semaphore(%arg9 : memref<!tpu.dma_semaphore, #tpu.memory_space<semaphore_mem>>) src(%arg6 : memref<64x1024xf32, #tpu.memory_space<vmem>>) dst(%dma_wait3A_12 : memref<8192x1024xf32, #tpu.memory_space<hbm>>)
    return
  }
}

#map = affine_map<(d0, d1) -> (0, 0)>
#map1 = affine_map<(d0, d1) -> (0)>
module attributes {stable_mosaic.version = 14 : i64} {
  func.func @_gather_body(%arg0: i32, %arg1: i32, %arg2: memref<6144x512xi32, #tpu.memory_space<hbm>>, %arg3: memref<2048xi32, #tpu.memory_space<hbm>>, %arg4: memref<2048xi32, #tpu.memory_space<hbm>>, %arg5: memref<2048x512xi32, #tpu.memory_space<hbm>>, %arg6: memref<2048x512xi32, #tpu.memory_space<hbm>>, %arg7: memref<64x512xi32, #tpu.memory_space<vmem>>, %arg8: memref<64x512xi32, #tpu.memory_space<vmem>>, %arg9: memref<64xi32, #tpu.memory_space<vmem>>, %arg10: memref<64xi32, #tpu.memory_space<vmem>>, %arg11: memref<!tpu.dma_semaphore, #tpu.memory_space<semaphore_mem>>) attributes {dimension_semantics = [#tpu.dimension_semantics<core_parallel>, #tpu.dimension_semantics<subcore_parallel>], iteration_bounds = array<i64: 2, 16>, scalar_prefetch = 0 : i64, scratch_operands = 5 : i64, tpu.core_type = #tpu.core_type<sc_vector_subcore>, window_params = [{transform_indices = #map}, {transform_indices = #map1}, {transform_indices = #map1}, {transform_indices = #map}, {transform_indices = #map}]} {
    %mul3A = arith.constant 2 : i32
    %mul3A_0 = arith.muli %arg1, %mul3A : i32
    %add3A = arith.addi %mul3A_0, %arg0 : i32
    %mul3A_1 = arith.constant 64 : i32
    %mul3A_2 = arith.muli %add3A, %mul3A_1 : i32
    "tpu.region"() ({
      %run_scoped3A = tpu.sem_alloc : memref<!tpu.dma_semaphore, #tpu.memory_space<semaphore_mem>>
      %dma_start3A_13 = tpu.memref_slice %arg3[%mul3A_2] : memref<2048xi32, #tpu.memory_space<hbm>> -> memref<64xi32, #tpu.memory_space<hbm>>
      %dma_start3A_14 = tpu.memref_slice %arg3[%mul3A_2] : memref<2048xi32, #tpu.memory_space<hbm>> -> memref<64xi32, #tpu.memory_space<hbm>>
      tpu.enqueue_dma source(%dma_start3A_14 : memref<64xi32, #tpu.memory_space<hbm>>) target(%arg9 : memref<64xi32, #tpu.memory_space<vmem>>) target_semaphore(%run_scoped3A : memref<!tpu.dma_semaphore, #tpu.memory_space<semaphore_mem>>)
      %dma_wait3A_15 = tpu.memref_slice %arg3[%mul3A_2] : memref<2048xi32, #tpu.memory_space<hbm>> -> memref<64xi32, #tpu.memory_space<hbm>>
      %dma_wait3A_16 = tpu.memref_slice %arg3[%mul3A_2] : memref<2048xi32, #tpu.memory_space<hbm>> -> memref<64xi32, #tpu.memory_space<hbm>>
      tpu.wait_dma2 semaphore(%run_scoped3A : memref<!tpu.dma_semaphore, #tpu.memory_space<semaphore_mem>>) src(%dma_wait3A_16 : memref<64xi32, #tpu.memory_space<hbm>>) dst(%arg9 : memref<64xi32, #tpu.memory_space<vmem>>)
      tpu.yield
    }) : () -> ()
    "tpu.region"() ({
      %run_scoped3A = tpu.sem_alloc : memref<!tpu.dma_semaphore, #tpu.memory_space<semaphore_mem>>
      %dma_start3A_13 = tpu.memref_slice %arg4[%mul3A_2] : memref<2048xi32, #tpu.memory_space<hbm>> -> memref<64xi32, #tpu.memory_space<hbm>>
      %dma_start3A_14 = tpu.memref_slice %arg4[%mul3A_2] : memref<2048xi32, #tpu.memory_space<hbm>> -> memref<64xi32, #tpu.memory_space<hbm>>
      tpu.enqueue_dma source(%dma_start3A_14 : memref<64xi32, #tpu.memory_space<hbm>>) target(%arg10 : memref<64xi32, #tpu.memory_space<vmem>>) target_semaphore(%run_scoped3A : memref<!tpu.dma_semaphore, #tpu.memory_space<semaphore_mem>>)
      %dma_wait3A_15 = tpu.memref_slice %arg4[%mul3A_2] : memref<2048xi32, #tpu.memory_space<hbm>> -> memref<64xi32, #tpu.memory_space<hbm>>
      %dma_wait3A_16 = tpu.memref_slice %arg4[%mul3A_2] : memref<2048xi32, #tpu.memory_space<hbm>> -> memref<64xi32, #tpu.memory_space<hbm>>
      tpu.wait_dma2 semaphore(%run_scoped3A : memref<!tpu.dma_semaphore, #tpu.memory_space<semaphore_mem>>) src(%dma_wait3A_16 : memref<64xi32, #tpu.memory_space<hbm>>) dst(%arg10 : memref<64xi32, #tpu.memory_space<vmem>>)
      tpu.yield
    }) : () -> ()
    %dma_start3A = arith.constant 0 : i32
    %dma_start3A_3 = arith.constant 0 : i32
    %dma_start3A_4 = tpu.memref_slice %arg2[%dma_start3A, %dma_start3A_3] : memref<6144x512xi32, #tpu.memory_space<hbm>> -> memref<6144x512xi32, #tpu.memory_space<hbm>>
    tpu.enqueue_indirect_dma source(%dma_start3A_4 : memref<6144x512xi32, #tpu.memory_space<hbm>>) target(%arg7 : memref<64x512xi32, #tpu.memory_space<vmem>>) offsets(%arg9 : memref<64xi32, #tpu.memory_space<vmem>>) semaphore(%arg11 : memref<!tpu.dma_semaphore, #tpu.memory_space<semaphore_mem>>)
    %dma_start3A_5 = arith.constant 0 : i32
    %dma_start3A_6 = arith.constant 0 : i32
    %dma_start3A_7 = tpu.memref_slice %arg2[%dma_start3A_5, %dma_start3A_6] : memref<6144x512xi32, #tpu.memory_space<hbm>> -> memref<6144x512xi32, #tpu.memory_space<hbm>>
    tpu.enqueue_indirect_dma source(%dma_start3A_7 : memref<6144x512xi32, #tpu.memory_space<hbm>>) target(%arg8 : memref<64x512xi32, #tpu.memory_space<vmem>>) offsets(%arg10 : memref<64xi32, #tpu.memory_space<vmem>>) semaphore(%arg11 : memref<!tpu.dma_semaphore, #tpu.memory_space<semaphore_mem>>)
    %dma_wait3A = arith.constant 0 : i32
    %dma_wait3A_8 = arith.constant 0 : i32
    %dma_wait3A_9 = tpu.memref_slice %arg2[%dma_wait3A, %dma_wait3A_8] : memref<6144x512xi32, #tpu.memory_space<hbm>> -> memref<6144x512xi32, #tpu.memory_space<hbm>>
    tpu.wait_indirect_dma semaphore(%arg11 : memref<!tpu.dma_semaphore, #tpu.memory_space<semaphore_mem>>) src(%dma_wait3A_9 : memref<6144x512xi32, #tpu.memory_space<hbm>>) dst(%arg7 : memref<64x512xi32, #tpu.memory_space<vmem>>)
    "tpu.region"() ({
      %run_scoped3A = tpu.sem_alloc : memref<!tpu.dma_semaphore, #tpu.memory_space<semaphore_mem>>
      %dma_start3A_13 = arith.constant 0 : i32
      %dma_start3A_14 = tpu.memref_slice %arg5[%mul3A_2, %dma_start3A_13] : memref<2048x512xi32, #tpu.memory_space<hbm>> -> memref<64x512xi32, #tpu.memory_space<hbm>>
      %dma_start3A_15 = arith.constant 0 : i32
      %dma_start3A_16 = tpu.memref_slice %arg5[%mul3A_2, %dma_start3A_15] : memref<2048x512xi32, #tpu.memory_space<hbm>> -> memref<64x512xi32, #tpu.memory_space<hbm>>
      tpu.enqueue_dma source(%arg7 : memref<64x512xi32, #tpu.memory_space<vmem>>) target(%dma_start3A_16 : memref<64x512xi32, #tpu.memory_space<hbm>>) target_semaphore(%run_scoped3A : memref<!tpu.dma_semaphore, #tpu.memory_space<semaphore_mem>>)
      %dma_wait3A_17 = arith.constant 0 : i32
      %dma_wait3A_18 = tpu.memref_slice %arg5[%mul3A_2, %dma_wait3A_17] : memref<2048x512xi32, #tpu.memory_space<hbm>> -> memref<64x512xi32, #tpu.memory_space<hbm>>
      %dma_wait3A_19 = arith.constant 0 : i32
      %dma_wait3A_20 = tpu.memref_slice %arg5[%mul3A_2, %dma_wait3A_19] : memref<2048x512xi32, #tpu.memory_space<hbm>> -> memref<64x512xi32, #tpu.memory_space<hbm>>
      tpu.wait_dma2 semaphore(%run_scoped3A : memref<!tpu.dma_semaphore, #tpu.memory_space<semaphore_mem>>) src(%arg7 : memref<64x512xi32, #tpu.memory_space<vmem>>) dst(%dma_wait3A_20 : memref<64x512xi32, #tpu.memory_space<hbm>>)
      tpu.yield
    }) : () -> ()
    %dma_wait3A_10 = arith.constant 0 : i32
    %dma_wait3A_11 = arith.constant 0 : i32
    %dma_wait3A_12 = tpu.memref_slice %arg2[%dma_wait3A_10, %dma_wait3A_11] : memref<6144x512xi32, #tpu.memory_space<hbm>> -> memref<6144x512xi32, #tpu.memory_space<hbm>>
    tpu.wait_indirect_dma semaphore(%arg11 : memref<!tpu.dma_semaphore, #tpu.memory_space<semaphore_mem>>) src(%dma_wait3A_12 : memref<6144x512xi32, #tpu.memory_space<hbm>>) dst(%arg8 : memref<64x512xi32, #tpu.memory_space<vmem>>)
    "tpu.region"() ({
      %run_scoped3A = tpu.sem_alloc : memref<!tpu.dma_semaphore, #tpu.memory_space<semaphore_mem>>
      %dma_start3A_13 = arith.constant 0 : i32
      %dma_start3A_14 = tpu.memref_slice %arg6[%mul3A_2, %dma_start3A_13] : memref<2048x512xi32, #tpu.memory_space<hbm>> -> memref<64x512xi32, #tpu.memory_space<hbm>>
      %dma_start3A_15 = arith.constant 0 : i32
      %dma_start3A_16 = tpu.memref_slice %arg6[%mul3A_2, %dma_start3A_15] : memref<2048x512xi32, #tpu.memory_space<hbm>> -> memref<64x512xi32, #tpu.memory_space<hbm>>
      tpu.enqueue_dma source(%arg8 : memref<64x512xi32, #tpu.memory_space<vmem>>) target(%dma_start3A_16 : memref<64x512xi32, #tpu.memory_space<hbm>>) target_semaphore(%run_scoped3A : memref<!tpu.dma_semaphore, #tpu.memory_space<semaphore_mem>>)
      %dma_wait3A_17 = arith.constant 0 : i32
      %dma_wait3A_18 = tpu.memref_slice %arg6[%mul3A_2, %dma_wait3A_17] : memref<2048x512xi32, #tpu.memory_space<hbm>> -> memref<64x512xi32, #tpu.memory_space<hbm>>
      %dma_wait3A_19 = arith.constant 0 : i32
      %dma_wait3A_20 = tpu.memref_slice %arg6[%mul3A_2, %dma_wait3A_19] : memref<2048x512xi32, #tpu.memory_space<hbm>> -> memref<64x512xi32, #tpu.memory_space<hbm>>
      tpu.wait_dma2 semaphore(%run_scoped3A : memref<!tpu.dma_semaphore, #tpu.memory_space<semaphore_mem>>) src(%arg8 : memref<64x512xi32, #tpu.memory_space<vmem>>) dst(%dma_wait3A_20 : memref<64x512xi32, #tpu.memory_space<hbm>>)
      tpu.yield
    }) : () -> ()
    return
  }
}

module attributes {stable_mosaic.version = 14 : i64} {
  func.func @_ffn_body(%arg0: i32, %arg1: i32, %arg2: memref<1x768x1024xf32, #tpu.memory_space<vmem>>, %arg3: memref<1x256x1024xf32, #tpu.memory_space<vmem>>, %arg4: memref<1x256x1024xf32, #tpu.memory_space<vmem>>, %arg5: memref<1x1024x256xf32, #tpu.memory_space<vmem>>, %arg6: memref<1x768x512xi32, #tpu.memory_space<vmem>>, %arg7: memref<768x1024xbf16, #tpu.memory_space<vmem>>, %arg8: memref<768x1024xf32, #tpu.memory_space<vmem>>) attributes {dimension_semantics = [#tpu.dimension_semantics<arbitrary>, #tpu.dimension_semantics<arbitrary>], iteration_bounds = array<i64: 8, 4>, scalar_prefetch = 0 : i64, scratch_operands = 2 : i64, tpu.core_type = #tpu.core_type<tc>, window_params = [{transform_indices = @transform_0, window_bounds = array<i64: 1, 768, 1024>}, {transform_indices = @transform_1, window_bounds = array<i64: 1, 256, 1024>}, {transform_indices = @transform_2, window_bounds = array<i64: 1, 256, 1024>}, {transform_indices = @transform_3, window_bounds = array<i64: 1, 1024, 256>}, {transform_indices = @transform_4, window_bounds = array<i64: 1, 768, 512>}]} {
    %eq3A = arith.constant 0 : i32
    %eq3A_0 = arith.cmpi eq, %arg1, %eq3A : i32
    %convert_element_type3A = arith.extui %eq3A_0 : i1 to i32
    %cond3A = arith.constant 0 : i32
    %cond3A_1 = arith.cmpi ne, %convert_element_type3A, %cond3A : i32
    scf.if %cond3A_1 {
      %get3A_48 = arith.constant 0 : index
      %get3A_49 = arith.constant 0 : index
      %get3A_50 = arith.constant 0 : index
      %get3A_51 = vector.load %arg2[%get3A_48, %get3A_49, %get3A_50] : memref<1x768x1024xf32, #tpu.memory_space<vmem>>, vector<1x768x1024xf32>
      %get3A_52 = vector.shape_cast %get3A_51 : vector<1x768x1024xf32> to vector<768x1024xf32>
      %convert_element_type3A_53 = arith.truncf %get3A_52 : vector<768x1024xf32> to vector<768x1024xbf16>
      %swap3A = arith.constant 0 : index
      %swap3A_54 = arith.constant 0 : index
      %swap3A_55 = vector.load %arg7[%swap3A, %swap3A_54] : memref<768x1024xbf16, #tpu.memory_space<vmem>>, vector<768x1024xbf16>
      tpu.vector_store %arg7[%swap3A, %swap3A_54], %convert_element_type3A_53 {strides = array<i32>} : memref<768x1024xbf16, #tpu.memory_space<vmem>>, vector<768x1024xbf16>,
    } else {
    }
    %get3A = arith.constant 0 : index
    %get3A_2 = arith.constant 0 : index
    %get3A_3 = vector.load %arg7[%get3A, %get3A_2] : memref<768x1024xbf16, #tpu.memory_space<vmem>>, vector<768x1024xbf16>
    %get3A_4 = arith.constant 0 : index
    %get3A_5 = arith.constant 0 : index
    %get3A_6 = arith.constant 0 : index
    %get3A_7 = vector.load %arg3[%get3A_4, %get3A_5, %get3A_6] : memref<1x256x1024xf32, #tpu.memory_space<vmem>>, vector<1x256x1024xf32>
    %get3A_8 = vector.shape_cast %get3A_7 : vector<1x256x1024xf32> to vector<256x1024xf32>
    %convert_element_type3A_9 = arith.truncf %get3A_8 : vector<256x1024xf32> to vector<256x1024xbf16>
    %dot_general3A = arith.constant dense<0.000000e+00> : vector<768x256xf32>
    %dot_general3A_10 = tpu.matmul %get3A_3, %convert_element_type3A_9, %dot_general3A {dimension_numbers = #tpu.dot_dimension_numbers<[1], [1], [0], [0], [0, 0, 1, 0], [], []>, transpose_lhs_hint = false} : vector<768x1024xbf16>, vector<256x1024xbf16>, vector<768x256xf32> -> vector<768x256xf32>
    %get3A_11 = arith.constant 0 : index
    %get3A_12 = arith.constant 0 : index
    %get3A_13 = arith.constant 0 : index
    %get3A_14 = vector.load %arg4[%get3A_11, %get3A_12, %get3A_13] : memref<1x256x1024xf32, #tpu.memory_space<vmem>>, vector<1x256x1024xf32>
    %get3A_15 = vector.shape_cast %get3A_14 : vector<1x256x1024xf32> to vector<256x1024xf32>
    %convert_element_type3A_16 = arith.truncf %get3A_15 : vector<256x1024xf32> to vector<256x1024xbf16>
    %dot_general3A_17 = arith.constant dense<0.000000e+00> : vector<768x256xf32>
    %dot_general3A_18 = tpu.matmul %get3A_3, %convert_element_type3A_16, %dot_general3A_17 {dimension_numbers = #tpu.dot_dimension_numbers<[1], [1], [0], [0], [0, 0, 1, 0], [], []>, transpose_lhs_hint = false} : vector<768x1024xbf16>, vector<256x1024xbf16>, vector<768x256xf32> -> vector<768x256xf32>
    %logistic3A = arith.negf %dot_general3A_10 : vector<768x256xf32>
    %logistic3A_19 = math.exp %logistic3A : vector<768x256xf32>
    %logistic3A_20 = arith.constant 1.000000e+00 : f32
    %logistic3A_21 = vector.broadcast %logistic3A_20 : f32 to vector<768x256xf32>
    %logistic3A_22 = arith.addf %logistic3A_21, %logistic3A_19 : vector<768x256xf32>
    %logistic3A_23 = arith.divf %logistic3A_21, %logistic3A_22 : vector<768x256xf32>
    %mul3A = arith.mulf %dot_general3A_10, %logistic3A_23 : vector<768x256xf32>
    %mul3A_24 = arith.mulf %mul3A, %dot_general3A_18 : vector<768x256xf32>
    %convert_element_type3A_25 = arith.truncf %mul3A_24 : vector<768x256xf32> to vector<768x256xbf16>
    %get3A_26 = arith.constant 0 : index
    %get3A_27 = arith.constant 0 : index
    %get3A_28 = arith.constant 0 : index
    %get3A_29 = vector.load %arg5[%get3A_26, %get3A_27, %get3A_28] : memref<1x1024x256xf32, #tpu.memory_space<vmem>>, vector<1x1024x256xf32>
    %get3A_30 = vector.shape_cast %get3A_29 : vector<1x1024x256xf32> to vector<1024x256xf32>
    %convert_element_type3A_31 = arith.truncf %get3A_30 : vector<1024x256xf32> to vector<1024x256xbf16>
    %dot_general3A_32 = arith.constant dense<0.000000e+00> : vector<768x1024xf32>
    %dot_general3A_33 = tpu.matmul %convert_element_type3A_25, %convert_element_type3A_31, %dot_general3A_32 {dimension_numbers = #tpu.dot_dimension_numbers<[1], [1], [0], [0], [0, 0, 1, 0], [], []>, transpose_lhs_hint = false} : vector<768x256xbf16>, vector<1024x256xbf16>, vector<768x1024xf32> -> vector<768x1024xf32>
    %eq3A_34 = arith.constant 0 : i32
    %eq3A_35 = arith.cmpi eq, %arg1, %eq3A_34 : i32
    %convert_element_type3A_36 = arith.extui %eq3A_35 : i1 to i32
    %cond3A_37 = arith.constant 0 : i32
    %cond3A_38 = arith.cmpi ne, %convert_element_type3A_36, %cond3A_37 : i32
    scf.if %cond3A_38 {
      %swap3A = arith.constant 0 : index
      %swap3A_48 = arith.constant 0 : index
      %swap3A_49 = vector.load %arg8[%swap3A, %swap3A_48] : memref<768x1024xf32, #tpu.memory_space<vmem>>, vector<768x1024xf32>
      tpu.vector_store %arg8[%swap3A, %swap3A_48], %dot_general3A_33 {strides = array<i32>} : memref<768x1024xf32, #tpu.memory_space<vmem>>, vector<768x1024xf32>,
    } else {
    }
    %gt3A = arith.constant 0 : i32
    %gt3A_39 = arith.cmpi sgt, %arg1, %gt3A : i32
    %convert_element_type3A_40 = arith.extui %gt3A_39 : i1 to i32
    %cond3A_41 = arith.constant 0 : i32
    %cond3A_42 = arith.cmpi ne, %convert_element_type3A_40, %cond3A_41 : i32
    scf.if %cond3A_42 {
      %get3A_48 = arith.constant 0 : index
      %get3A_49 = arith.constant 0 : index
      %get3A_50 = vector.load %arg8[%get3A_48, %get3A_49] : memref<768x1024xf32, #tpu.memory_space<vmem>>, vector<768x1024xf32>
      %add3A = arith.addf %get3A_50, %dot_general3A_33 : vector<768x1024xf32>
      %swap3A = arith.constant 0 : index
      %swap3A_51 = arith.constant 0 : index
      %swap3A_52 = vector.load %arg8[%swap3A, %swap3A_51] : memref<768x1024xf32, #tpu.memory_space<vmem>>, vector<768x1024xf32>
      tpu.vector_store %arg8[%swap3A, %swap3A_51], %add3A {strides = array<i32>} : memref<768x1024xf32, #tpu.memory_space<vmem>>, vector<768x1024xf32>,
    } else {
    }
    %eq3A_43 = arith.constant 3 : i32
    %eq3A_44 = arith.cmpi eq, %arg1, %eq3A_43 : i32
    %convert_element_type3A_45 = arith.extui %eq3A_44 : i1 to i32
    %cond3A_46 = arith.constant 0 : i32
    %cond3A_47 = arith.cmpi ne, %convert_element_type3A_45, %cond3A_46 : i32
    scf.if %cond3A_47 {
      %get3A_48 = arith.constant 0 : index
      %get3A_49 = arith.constant 0 : index
      %get3A_50 = vector.load %arg8[%get3A_48, %get3A_49] : memref<768x1024xf32, #tpu.memory_space<vmem>>, vector<768x1024xf32>
      %slice3A = vector.extract_strided_slice %get3A_50 {offsets = [0, 0], sizes = [768, 512], strides = [1, 1]} : vector<768x1024xf32> to vector<768x512xf32>
      %bitcast_convert_type3A = tpu.bitcast %slice3A : vector<768x512xf32> -> vector<768x512xi32>
      %add3A = arith.constant 32767 : i32
      %add3A_51 = vector.broadcast %add3A : i32 to vector<768x512xi32>
      %add3A_52 = arith.addi %bitcast_convert_type3A, %add3A_51 : vector<768x512xi32>
      %shift_right_logical3A = arith.constant 16 : i32
      %shift_right_logical3A_53 = vector.broadcast %shift_right_logical3A : i32 to vector<768x512xi32>
      %shift_right_logical3A_54 = arith.shrui %bitcast_convert_type3A, %shift_right_logical3A_53 : vector<768x512xi32>
      %and3A = arith.constant 1 : i32
      %and3A_55 = vector.broadcast %and3A : i32 to vector<768x512xi32>
      %and3A_56 = arith.andi %shift_right_logical3A_54, %and3A_55 : vector<768x512xi32>
      %add3A_57 = arith.addi %add3A_52, %and3A_56 : vector<768x512xi32>
      %and3A_58 = arith.constant -65536 : i32
      %and3A_59 = vector.broadcast %and3A_58 : i32 to vector<768x512xi32>
      %and3A_60 = arith.andi %add3A_57, %and3A_59 : vector<768x512xi32>
      %slice3A_61 = vector.extract_strided_slice %get3A_50 {offsets = [0, 512], sizes = [768, 512], strides = [1, 1]} : vector<768x1024xf32> to vector<768x512xf32>
      %bitcast_convert_type3A_62 = tpu.bitcast %slice3A_61 : vector<768x512xf32> -> vector<768x512xi32>
      %add3A_63 = arith.constant 32767 : i32
      %add3A_64 = vector.broadcast %add3A_63 : i32 to vector<768x512xi32>
      %add3A_65 = arith.addi %bitcast_convert_type3A_62, %add3A_64 : vector<768x512xi32>
      %shift_right_logical3A_66 = arith.constant 16 : i32
      %shift_right_logical3A_67 = vector.broadcast %shift_right_logical3A_66 : i32 to vector<768x512xi32>
      %shift_right_logical3A_68 = arith.shrui %bitcast_convert_type3A_62, %shift_right_logical3A_67 : vector<768x512xi32>
      %and3A_69 = arith.constant 1 : i32
      %and3A_70 = vector.broadcast %and3A_69 : i32 to vector<768x512xi32>
      %and3A_71 = arith.andi %shift_right_logical3A_68, %and3A_70 : vector<768x512xi32>
      %add3A_72 = arith.addi %add3A_65, %and3A_71 : vector<768x512xi32>
      %shift_right_logical3A_73 = arith.constant 16 : i32
      %shift_right_logical3A_74 = vector.broadcast %shift_right_logical3A_73 : i32 to vector<768x512xi32>
      %shift_right_logical3A_75 = arith.shrui %add3A_72, %shift_right_logical3A_74 : vector<768x512xi32>
      %or3A = arith.ori %and3A_60, %shift_right_logical3A_75 : vector<768x512xi32>
      %bitcast_convert_type3A_76 = tpu.bitcast %or3A : vector<768x512xi32> -> vector<768x512xi32>
      %swap3A = arith.constant 0 : index
      %swap3A_77 = arith.constant 0 : index
      %swap3A_78 = arith.constant 0 : index
      %swap3A_79 = vector.load %arg6[%swap3A, %swap3A_77, %swap3A_78] : memref<1x768x512xi32, #tpu.memory_space<vmem>>, vector<1x768x512xi32>
      %swap3A_80 = vector.shape_cast %swap3A_79 : vector<1x768x512xi32> to vector<768x512xi32>
      %swap3A_81 = vector.shape_cast %bitcast_convert_type3A_76 : vector<768x512xi32> to vector<1x768x512xi32>
      tpu.vector_store %arg6[%swap3A, %swap3A_77, %swap3A_78], %swap3A_81 {strides = array<i32>} : memref<1x768x512xi32, #tpu.memory_space<vmem>>, vector<1x768x512xi32>,
    } else {
    }
    return
  }
  func.func @transform_0(%arg0: i32, %arg1: i32) -> (i32, i32, i32) {
    %c0_i32 = arith.constant 0 : i32
    %c0_i32_0 = arith.constant 0 : i32
    %c0_i32_1 = arith.constant 0 : i32
    return %arg0, %c0_i32, %c0_i32_0 : i32, i32, i32
  }
  func.func @transform_1(%arg0: i32, %arg1: i32) -> (i32, i32, i32) {
    %c0_i32 = arith.constant 0 : i32
    %c0_i32_0 = arith.constant 0 : i32
    return %arg0, %arg1, %c0_i32 : i32, i32, i32
  }
  func.func @transform_2(%arg0: i32, %arg1: i32) -> (i32, i32, i32) {
    %add3A = arith.constant 4 : i32
    %add3A_0 = arith.addi %add3A, %arg1 : i32
    %c0_i32 = arith.constant 0 : i32
    %c0_i32_1 = arith.constant 0 : i32
    return %arg0, %add3A_0, %c0_i32 : i32, i32, i32
  }
  func.func @transform_3(%arg0: i32, %arg1: i32) -> (i32, i32, i32) {
    %c0_i32 = arith.constant 0 : i32
    %c0_i32_0 = arith.constant 0 : i32
    return %arg0, %c0_i32, %arg1 : i32, i32, i32
  }
  func.func @transform_4(%arg0: i32, %arg1: i32) -> (i32, i32, i32) {
    %c0_i32 = arith.constant 0 : i32
    %c0_i32_0 = arith.constant 0 : i32
    %c0_i32_1 = arith.constant 0 : i32
    return %arg0, %c0_i32, %c0_i32_0 : i32, i32, i32
  }
}

module attributes {stable_mosaic.version = 14 : i64} {
  func.func @_routing_body(%arg0: memref<2048x8xf32, #tpu.memory_space<vmem>>, %arg1: memref<2048x1xi32, #tpu.memory_space<vmem>>, %arg2: memref<2048x1xi32, #tpu.memory_space<vmem>>, %arg3: memref<2048x1xi32, #tpu.memory_space<vmem>>, %arg4: memref<2048x1xi32, #tpu.memory_space<vmem>>, %arg5: memref<2048x1xf32, #tpu.memory_space<vmem>>, %arg6: memref<2048x1xf32, #tpu.memory_space<vmem>>) attributes {dimension_semantics = [], scalar_prefetch = 0 : i64, scratch_operands = 0 : i64, tpu.core_type = #tpu.core_type<tc>} {
    %get3A = arith.constant 0 : index
    %get3A_0 = arith.constant 0 : index
    %get3A_1 = vector.load %arg0[%get3A, %get3A_0] : memref<2048x8xf32, #tpu.memory_space<vmem>>, vector<2048x8xf32>
    %iota3A = tpu.iota {dimensions = array<i32: 1>} : vector<2048x8xi32>
    %reduce_max3A = arith.constant dense<0xFF800000> : vector<2048xf32>
    %reduce_max3A_2 = vector.multi_reduction <maximumf>, %get3A_1, %reduce_max3A [1] : vector<2048x8xf32> to vector<2048xf32>
    %broadcast_in_dim3A = vector.shape_cast %reduce_max3A_2 : vector<2048xf32> to vector<2048x1xf32>
    %eq3A = vector.broadcast %broadcast_in_dim3A : vector<2048x1xf32> to vector<2048x8xf32>
    %eq3A_3 = arith.cmpf oeq, %get3A_1, %eq3A : vector<2048x8xf32>
    %jit3A = arith.constant 8 : i32
    %broadcast_in_dim3A_4 = vector.broadcast %jit3A : i32 to vector<2048x8xi32>
    %select_n3A = arith.select %eq3A_3, %iota3A, %broadcast_in_dim3A_4 : vector<2048x8xi1>, vector<2048x8xi32>
    %reduce_min3A = arith.constant dense<2147483647> : vector<2048xi32>
    %reduce_min3A_5 = vector.multi_reduction <minsi>, %select_n3A, %reduce_min3A [1] : vector<2048x8xi32> to vector<2048xi32>
    %broadcast_in_dim3A_6 = vector.shape_cast %reduce_min3A_5 : vector<2048xi32> to vector<2048x1xi32>
    %eq3A_7 = vector.broadcast %broadcast_in_dim3A_6 : vector<2048x1xi32> to vector<2048x8xi32>
    %eq3A_8 = arith.cmpi eq, %iota3A, %eq3A_7 : vector<2048x8xi32>
    %jit3A_9 = arith.constant 0xFF800000 : f32
    %broadcast_in_dim3A_10 = vector.broadcast %jit3A_9 : f32 to vector<2048x8xf32>
    %select_n3A_11 = arith.select %eq3A_8, %broadcast_in_dim3A_10, %get3A_1 : vector<2048x8xi1>, vector<2048x8xf32>
    %reduce_max3A_12 = arith.constant dense<0xFF800000> : vector<2048xf32>
    %reduce_max3A_13 = vector.multi_reduction <maximumf>, %select_n3A_11, %reduce_max3A_12 [1] : vector<2048x8xf32> to vector<2048xf32>
    %broadcast_in_dim3A_14 = vector.shape_cast %reduce_max3A_13 : vector<2048xf32> to vector<2048x1xf32>
    %eq3A_15 = vector.broadcast %broadcast_in_dim3A_14 : vector<2048x1xf32> to vector<2048x8xf32>
    %eq3A_16 = arith.cmpf oeq, %select_n3A_11, %eq3A_15 : vector<2048x8xf32>
    %jit3A_17 = arith.constant 8 : i32
    %broadcast_in_dim3A_18 = vector.broadcast %jit3A_17 : i32 to vector<2048x8xi32>
    %select_n3A_19 = arith.select %eq3A_16, %iota3A, %broadcast_in_dim3A_18 : vector<2048x8xi1>, vector<2048x8xi32>
    %reduce_min3A_20 = arith.constant dense<2147483647> : vector<2048xi32>
    %reduce_min3A_21 = vector.multi_reduction <minsi>, %select_n3A_19, %reduce_min3A_20 [1] : vector<2048x8xi32> to vector<2048xi32>
    %broadcast_in_dim3A_22 = vector.shape_cast %reduce_min3A_21 : vector<2048xi32> to vector<2048x1xi32>
    %sub3A = arith.subf %broadcast_in_dim3A_14, %broadcast_in_dim3A : vector<2048x1xf32>
    %exp3A = math.exp %sub3A : vector<2048x1xf32>
    %add3A = arith.constant 1.000000e+00 : f32
    %add3A_23 = vector.broadcast %add3A : f32 to vector<2048x1xf32>
    %add3A_24 = arith.addf %add3A_23, %exp3A : vector<2048x1xf32>
    %div3A = arith.constant 1.000000e+00 : f32
    %div3A_25 = vector.broadcast %div3A : f32 to vector<2048x1xf32>
    %div3A_26 = arith.divf %div3A_25, %add3A_24 : vector<2048x1xf32>
    %sub3A_27 = arith.constant 1.000000e+00 : f32
    %sub3A_28 = vector.broadcast %sub3A_27 : f32 to vector<2048x1xf32>
    %sub3A_29 = arith.subf %sub3A_28, %div3A_26 : vector<2048x1xf32>
    %eq3A_30 = vector.broadcast %broadcast_in_dim3A_6 : vector<2048x1xi32> to vector<2048x8xi32>
    %eq3A_31 = arith.cmpi eq, %iota3A, %eq3A_30 : vector<2048x8xi32>
    %convert_element_type3A = arith.extui %eq3A_31 : vector<2048x8xi1> to vector<2048x8xi32>
    %eq3A_32 = vector.broadcast %broadcast_in_dim3A_22 : vector<2048x1xi32> to vector<2048x8xi32>
    %eq3A_33 = arith.cmpi eq, %iota3A, %eq3A_32 : vector<2048x8xi32>
    %convert_element_type3A_34 = arith.extui %eq3A_33 : vector<2048x8xi1> to vector<2048x8xi32>
    %add3A_35 = arith.addi %convert_element_type3A, %convert_element_type3A_34 : vector<2048x8xi32>
    %broadcast_in_dim3A_36 = arith.constant 0 : i32
    %broadcast_in_dim3A_37 = vector.broadcast %broadcast_in_dim3A_36 : i32 to vector<1x8xi32>
    %slice3A = vector.extract_strided_slice %add3A_35 {offsets = [0, 0], sizes = [2047, 8], strides = [1, 1]} : vector<2048x8xi32> to vector<2047x8xi32>
    %concatenate3A = tpu.concatenate %broadcast_in_dim3A_37, %slice3A in 0 : vector<1x8xi32>, vector<2047x8xi32> -> vector<2048x8xi32>
    %add3A_38 = arith.addi %add3A_35, %concatenate3A : vector<2048x8xi32>
    %broadcast_in_dim3A_39 = arith.constant 0 : i32
    %broadcast_in_dim3A_40 = vector.broadcast %broadcast_in_dim3A_39 : i32 to vector<2x8xi32>
    %slice3A_41 = vector.extract_strided_slice %add3A_38 {offsets = [0, 0], sizes = [2046, 8], strides = [1, 1]} : vector<2048x8xi32> to vector<2046x8xi32>
    %concatenate3A_42 = tpu.concatenate %broadcast_in_dim3A_40, %slice3A_41 in 0 : vector<2x8xi32>, vector<2046x8xi32> -> vector<2048x8xi32>
    %add3A_43 = arith.addi %add3A_38, %concatenate3A_42 : vector<2048x8xi32>
    %broadcast_in_dim3A_44 = arith.constant 0 : i32
    %broadcast_in_dim3A_45 = vector.broadcast %broadcast_in_dim3A_44 : i32 to vector<4x8xi32>
    %slice3A_46 = vector.extract_strided_slice %add3A_43 {offsets = [0, 0], sizes = [2044, 8], strides = [1, 1]} : vector<2048x8xi32> to vector<2044x8xi32>
    %concatenate3A_47 = tpu.concatenate %broadcast_in_dim3A_45, %slice3A_46 in 0 : vector<4x8xi32>, vector<2044x8xi32> -> vector<2048x8xi32>
    %add3A_48 = arith.addi %add3A_43, %concatenate3A_47 : vector<2048x8xi32>
    %broadcast_in_dim3A_49 = arith.constant 0 : i32
    %broadcast_in_dim3A_50 = vector.broadcast %broadcast_in_dim3A_49 : i32 to vector<8x8xi32>
    %slice3A_51 = vector.extract_strided_slice %add3A_48 {offsets = [0, 0], sizes = [2040, 8], strides = [1, 1]} : vector<2048x8xi32> to vector<2040x8xi32>
    %concatenate3A_52 = tpu.concatenate %broadcast_in_dim3A_50, %slice3A_51 in 0 : vector<8x8xi32>, vector<2040x8xi32> -> vector<2048x8xi32>
    %add3A_53 = arith.addi %add3A_48, %concatenate3A_52 : vector<2048x8xi32>
    %broadcast_in_dim3A_54 = arith.constant 0 : i32
    %broadcast_in_dim3A_55 = vector.broadcast %broadcast_in_dim3A_54 : i32 to vector<16x8xi32>
    %slice3A_56 = vector.extract_strided_slice %add3A_53 {offsets = [0, 0], sizes = [2032, 8], strides = [1, 1]} : vector<2048x8xi32> to vector<2032x8xi32>
    %concatenate3A_57 = tpu.concatenate %broadcast_in_dim3A_55, %slice3A_56 in 0 : vector<16x8xi32>, vector<2032x8xi32> -> vector<2048x8xi32>
    %add3A_58 = arith.addi %add3A_53, %concatenate3A_57 : vector<2048x8xi32>
    %broadcast_in_dim3A_59 = arith.constant 0 : i32
    %broadcast_in_dim3A_60 = vector.broadcast %broadcast_in_dim3A_59 : i32 to vector<32x8xi32>
    %slice3A_61 = vector.extract_strided_slice %add3A_58 {offsets = [0, 0], sizes = [2016, 8], strides = [1, 1]} : vector<2048x8xi32> to vector<2016x8xi32>
    %concatenate3A_62 = tpu.concatenate %broadcast_in_dim3A_60, %slice3A_61 in 0 : vector<32x8xi32>, vector<2016x8xi32> -> vector<2048x8xi32>
    %add3A_63 = arith.addi %add3A_58, %concatenate3A_62 : vector<2048x8xi32>
    %broadcast_in_dim3A_64 = arith.constant 0 : i32
    %broadcast_in_dim3A_65 = vector.broadcast %broadcast_in_dim3A_64 : i32 to vector<64x8xi32>
    %slice3A_66 = vector.extract_strided_slice %add3A_63 {offsets = [0, 0], sizes = [1984, 8], strides = [1, 1]} : vector<2048x8xi32> to vector<1984x8xi32>
    %concatenate3A_67 = tpu.concatenate %broadcast_in_dim3A_65, %slice3A_66 in 0 : vector<64x8xi32>, vector<1984x8xi32> -> vector<2048x8xi32>
    %add3A_68 = arith.addi %add3A_63, %concatenate3A_67 : vector<2048x8xi32>
    %broadcast_in_dim3A_69 = arith.constant 0 : i32
    %broadcast_in_dim3A_70 = vector.broadcast %broadcast_in_dim3A_69 : i32 to vector<128x8xi32>
    %slice3A_71 = vector.extract_strided_slice %add3A_68 {offsets = [0, 0], sizes = [1920, 8], strides = [1, 1]} : vector<2048x8xi32> to vector<1920x8xi32>
    %concatenate3A_72 = tpu.concatenate %broadcast_in_dim3A_70, %slice3A_71 in 0 : vector<128x8xi32>, vector<1920x8xi32> -> vector<2048x8xi32>
    %add3A_73 = arith.addi %add3A_68, %concatenate3A_72 : vector<2048x8xi32>
    %broadcast_in_dim3A_74 = arith.constant 0 : i32
    %broadcast_in_dim3A_75 = vector.broadcast %broadcast_in_dim3A_74 : i32 to vector<256x8xi32>
    %slice3A_76 = vector.extract_strided_slice %add3A_73 {offsets = [0, 0], sizes = [1792, 8], strides = [1, 1]} : vector<2048x8xi32> to vector<1792x8xi32>
    %concatenate3A_77 = tpu.concatenate %broadcast_in_dim3A_75, %slice3A_76 in 0 : vector<256x8xi32>, vector<1792x8xi32> -> vector<2048x8xi32>
    %add3A_78 = arith.addi %add3A_73, %concatenate3A_77 : vector<2048x8xi32>
    %broadcast_in_dim3A_79 = arith.constant 0 : i32
    %broadcast_in_dim3A_80 = vector.broadcast %broadcast_in_dim3A_79 : i32 to vector<512x8xi32>
    %slice3A_81 = vector.extract_strided_slice %add3A_78 {offsets = [0, 0], sizes = [1536, 8], strides = [1, 1]} : vector<2048x8xi32> to vector<1536x8xi32>
    %concatenate3A_82 = tpu.concatenate %broadcast_in_dim3A_80, %slice3A_81 in 0 : vector<512x8xi32>, vector<1536x8xi32> -> vector<2048x8xi32>
    %add3A_83 = arith.addi %add3A_78, %concatenate3A_82 : vector<2048x8xi32>
    %broadcast_in_dim3A_84 = arith.constant 0 : i32
    %broadcast_in_dim3A_85 = vector.broadcast %broadcast_in_dim3A_84 : i32 to vector<1024x8xi32>
    %slice3A_86 = vector.extract_strided_slice %add3A_83 {offsets = [0, 0], sizes = [1024, 8], strides = [1, 1]} : vector<2048x8xi32> to vector<1024x8xi32>
    %concatenate3A_87 = tpu.concatenate %broadcast_in_dim3A_85, %slice3A_86 in 0 : vector<1024x8xi32>, vector<1024x8xi32> -> vector<2048x8xi32>
    %add3A_88 = arith.addi %add3A_83, %concatenate3A_87 : vector<2048x8xi32>
    %sub3A_89 = arith.subi %add3A_88, %add3A_35 : vector<2048x8xi32>
    %eq3A_90 = vector.broadcast %broadcast_in_dim3A_6 : vector<2048x1xi32> to vector<2048x8xi32>
    %eq3A_91 = arith.cmpi eq, %iota3A, %eq3A_90 : vector<2048x8xi32>
    %jit3A_92 = arith.constant 0 : i32
    %broadcast_in_dim3A_93 = vector.broadcast %jit3A_92 : i32 to vector<2048x8xi32>
    %select_n3A_94 = arith.select %eq3A_91, %sub3A_89, %broadcast_in_dim3A_93 : vector<2048x8xi1>, vector<2048x8xi32>
    %reduce_sum3A = arith.constant dense<0> : vector<2048xi32>
    %reduce_sum3A_95 = vector.multi_reduction <add>, %select_n3A_94, %reduce_sum3A [1] : vector<2048x8xi32> to vector<2048xi32>
    %broadcast_in_dim3A_96 = vector.shape_cast %reduce_sum3A_95 : vector<2048xi32> to vector<2048x1xi32>
    %eq3A_97 = vector.broadcast %broadcast_in_dim3A_22 : vector<2048x1xi32> to vector<2048x8xi32>
    %eq3A_98 = arith.cmpi eq, %iota3A, %eq3A_97 : vector<2048x8xi32>
    %jit3A_99 = arith.constant 0 : i32
    %broadcast_in_dim3A_100 = vector.broadcast %jit3A_99 : i32 to vector<2048x8xi32>
    %select_n3A_101 = arith.select %eq3A_98, %sub3A_89, %broadcast_in_dim3A_100 : vector<2048x8xi1>, vector<2048x8xi32>
    %reduce_sum3A_102 = arith.constant dense<0> : vector<2048xi32>
    %reduce_sum3A_103 = vector.multi_reduction <add>, %select_n3A_101, %reduce_sum3A_102 [1] : vector<2048x8xi32> to vector<2048xi32>
    %broadcast_in_dim3A_104 = vector.shape_cast %reduce_sum3A_103 : vector<2048xi32> to vector<2048x1xi32>
    %lt3A = arith.constant 768 : i32
    %lt3A_105 = vector.broadcast %lt3A : i32 to vector<2048x1xi32>
    %lt3A_106 = arith.cmpi slt, %broadcast_in_dim3A_96, %lt3A_105 : vector<2048x1xi32>
    %lt3A_107 = arith.constant 768 : i32
    %lt3A_108 = vector.broadcast %lt3A_107 : i32 to vector<2048x1xi32>
    %lt3A_109 = arith.cmpi slt, %broadcast_in_dim3A_104, %lt3A_108 : vector<2048x1xi32>
    %mul3A = arith.constant 1024 : i32
    %mul3A_110 = vector.broadcast %mul3A : i32 to vector<2048x1xi32>
    %mul3A_111 = arith.muli %broadcast_in_dim3A_6, %mul3A_110 : vector<2048x1xi32>
    %min3A = arith.constant 1023 : i32
    %min3A_112 = vector.broadcast %min3A : i32 to vector<2048x1xi32>
    %min3A_113 = arith.minsi %broadcast_in_dim3A_96, %min3A_112 : vector<2048x1xi32>
    %add3A_114 = arith.addi %mul3A_111, %min3A_113 : vector<2048x1xi32>
    %swap3A = arith.constant 0 : index
    %swap3A_115 = arith.constant 0 : index
    %swap3A_116 = vector.load %arg1[%swap3A, %swap3A_115] : memref<2048x1xi32, #tpu.memory_space<vmem>>, vector<2048x1xi32>
    tpu.vector_store %arg1[%swap3A, %swap3A_115], %add3A_114 {strides = array<i32>} : memref<2048x1xi32, #tpu.memory_space<vmem>>, vector<2048x1xi32>,
    %mul3A_117 = arith.constant 1024 : i32
    %mul3A_118 = vector.broadcast %mul3A_117 : i32 to vector<2048x1xi32>
    %mul3A_119 = arith.muli %broadcast_in_dim3A_22, %mul3A_118 : vector<2048x1xi32>
    %min3A_120 = arith.constant 1023 : i32
    %min3A_121 = vector.broadcast %min3A_120 : i32 to vector<2048x1xi32>
    %min3A_122 = arith.minsi %broadcast_in_dim3A_104, %min3A_121 : vector<2048x1xi32>
    %add3A_123 = arith.addi %mul3A_119, %min3A_122 : vector<2048x1xi32>
    %swap3A_124 = arith.constant 0 : index
    %swap3A_125 = arith.constant 0 : index
    %swap3A_126 = vector.load %arg2[%swap3A_124, %swap3A_125] : memref<2048x1xi32, #tpu.memory_space<vmem>>, vector<2048x1xi32>
    tpu.vector_store %arg2[%swap3A_124, %swap3A_125], %add3A_123 {strides = array<i32>} : memref<2048x1xi32, #tpu.memory_space<vmem>>, vector<2048x1xi32>,
    %slice3A_127 = vector.extract_strided_slice %broadcast_in_dim3A_6 {offsets = [0, 0], sizes = [1, 1], strides = [1, 1]} : vector<2048x1xi32> to vector<1x1xi32>
    %mul3A_128 = arith.constant 768 : i32
    %mul3A_129 = vector.broadcast %mul3A_128 : i32 to vector<1x1xi32>
    %mul3A_130 = arith.muli %slice3A_127, %mul3A_129 : vector<1x1xi32>
    %mul3A_131 = arith.constant 768 : i32
    %mul3A_132 = vector.broadcast %mul3A_131 : i32 to vector<2048x1xi32>
    %mul3A_133 = arith.muli %broadcast_in_dim3A_6, %mul3A_132 : vector<2048x1xi32>
    %add3A_134 = arith.addi %mul3A_133, %broadcast_in_dim3A_96 : vector<2048x1xi32>
    %broadcast_in_dim3A_135 = vector.shape_cast %mul3A_130 : vector<1x1xi32> to vector<1x1xi32>
    %broadcast_in_dim3A_136 = vector.broadcast %broadcast_in_dim3A_135 : vector<1x1xi32> to vector<2048x1xi32>
    %select_n3A_137 = arith.select %lt3A_106, %add3A_134, %broadcast_in_dim3A_136 : vector<2048x1xi1>, vector<2048x1xi32>
    %swap3A_138 = arith.constant 0 : index
    %swap3A_139 = arith.constant 0 : index
    %swap3A_140 = vector.load %arg3[%swap3A_138, %swap3A_139] : memref<2048x1xi32, #tpu.memory_space<vmem>>, vector<2048x1xi32>
    tpu.vector_store %arg3[%swap3A_138, %swap3A_139], %select_n3A_137 {strides = array<i32>} : memref<2048x1xi32, #tpu.memory_space<vmem>>, vector<2048x1xi32>,
    %mul3A_141 = arith.constant 768 : i32
    %mul3A_142 = vector.broadcast %mul3A_141 : i32 to vector<2048x1xi32>
    %mul3A_143 = arith.muli %broadcast_in_dim3A_22, %mul3A_142 : vector<2048x1xi32>
    %add3A_144 = arith.addi %mul3A_143, %broadcast_in_dim3A_104 : vector<2048x1xi32>
    %broadcast_in_dim3A_145 = vector.shape_cast %mul3A_130 : vector<1x1xi32> to vector<1x1xi32>
    %broadcast_in_dim3A_146 = vector.broadcast %broadcast_in_dim3A_145 : vector<1x1xi32> to vector<2048x1xi32>
    %select_n3A_147 = arith.select %lt3A_109, %add3A_144, %broadcast_in_dim3A_146 : vector<2048x1xi1>, vector<2048x1xi32>
    %swap3A_148 = arith.constant 0 : index
    %swap3A_149 = arith.constant 0 : index
    %swap3A_150 = vector.load %arg4[%swap3A_148, %swap3A_149] : memref<2048x1xi32, #tpu.memory_space<vmem>>, vector<2048x1xi32>
    tpu.vector_store %arg4[%swap3A_148, %swap3A_149], %select_n3A_147 {strides = array<i32>} : memref<2048x1xi32, #tpu.memory_space<vmem>>, vector<2048x1xi32>,
    %jit3A_151 = arith.constant 0.000000e+00 : f32
    %broadcast_in_dim3A_152 = vector.broadcast %jit3A_151 : f32 to vector<2048x1xf32>
    %select_n3A_153 = arith.select %lt3A_106, %div3A_26, %broadcast_in_dim3A_152 : vector<2048x1xi1>, vector<2048x1xf32>
    %swap3A_154 = arith.constant 0 : index
    %swap3A_155 = arith.constant 0 : index
    %swap3A_156 = vector.load %arg5[%swap3A_154, %swap3A_155] : memref<2048x1xf32, #tpu.memory_space<vmem>>, vector<2048x1xf32>
    tpu.vector_store %arg5[%swap3A_154, %swap3A_155], %select_n3A_153 {strides = array<i32>} : memref<2048x1xf32, #tpu.memory_space<vmem>>, vector<2048x1xf32>,
    %jit3A_157 = arith.constant 0.000000e+00 : f32
    %broadcast_in_dim3A_158 = vector.broadcast %jit3A_157 : f32 to vector<2048x1xf32>
    %select_n3A_159 = arith.select %lt3A_109, %sub3A_29, %broadcast_in_dim3A_158 : vector<2048x1xi1>, vector<2048x1xf32>
    %swap3A_160 = arith.constant 0 : index
    %swap3A_161 = arith.constant 0 : index
    %swap3A_162 = vector.load %arg6[%swap3A_160, %swap3A_161] : memref<2048x1xf32, #tpu.memory_space<vmem>>, vector<2048x1xf32>
    tpu.vector_store %arg6[%swap3A_160, %swap3A_161], %select_n3A_159 {strides = array<i32>} : memref<2048x1xf32, #tpu.memory_space<vmem>>, vector<2048x1xf32>,
    return
  }
}

module attributes {stable_mosaic.version = 14 : i64} {
  func.func @_epilogue_body(%arg0: i32, %arg1: memref<512x512xi32, #tpu.memory_space<vmem>>, %arg2: memref<512x512xi32, #tpu.memory_space<vmem>>, %arg3: memref<512x1xf32, #tpu.memory_space<vmem>>, %arg4: memref<512x1xf32, #tpu.memory_space<vmem>>, %arg5: memref<512x1024xf32, #tpu.memory_space<vmem>>) attributes {dimension_semantics = [#tpu.dimension_semantics<arbitrary>], iteration_bounds = array<i64: 4>, scalar_prefetch = 0 : i64, scratch_operands = 0 : i64, tpu.core_type = #tpu.core_type<tc>, window_params = [{transform_indices = @transform_0, window_bounds = array<i64: 512, 512>}, {transform_indices = @transform_1, window_bounds = array<i64: 512, 512>}, {transform_indices = @transform_2, window_bounds = array<i64: 512, 1>}, {transform_indices = @transform_3, window_bounds = array<i64: 512, 1>}, {transform_indices = @transform_4, window_bounds = array<i64: 512, 1024>}]} {
    %get3A = arith.constant 0 : index
    %get3A_0 = arith.constant 0 : index
    %get3A_1 = vector.load %arg1[%get3A, %get3A_0] : memref<512x512xi32, #tpu.memory_space<vmem>>, vector<512x512xi32>
    %bitcast_convert_type3A = tpu.bitcast %get3A_1 : vector<512x512xi32> -> vector<512x512xi32>
    %and3A = arith.constant -65536 : i32
    %and3A_2 = vector.broadcast %and3A : i32 to vector<512x512xi32>
    %and3A_3 = arith.andi %bitcast_convert_type3A, %and3A_2 : vector<512x512xi32>
    %bitcast_convert_type3A_4 = tpu.bitcast %and3A_3 : vector<512x512xi32> -> vector<512x512xf32>
    %shift_left3A = arith.constant 16 : i32
    %shift_left3A_5 = vector.broadcast %shift_left3A : i32 to vector<512x512xi32>
    %shift_left3A_6 = arith.shli %bitcast_convert_type3A, %shift_left3A_5 : vector<512x512xi32>
    %bitcast_convert_type3A_7 = tpu.bitcast %shift_left3A_6 : vector<512x512xi32> -> vector<512x512xf32>
    %get3A_8 = arith.constant 0 : index
    %get3A_9 = arith.constant 0 : index
    %get3A_10 = vector.load %arg2[%get3A_8, %get3A_9] : memref<512x512xi32, #tpu.memory_space<vmem>>, vector<512x512xi32>
    %bitcast_convert_type3A_11 = tpu.bitcast %get3A_10 : vector<512x512xi32> -> vector<512x512xi32>
    %and3A_12 = arith.constant -65536 : i32
    %and3A_13 = vector.broadcast %and3A_12 : i32 to vector<512x512xi32>
    %and3A_14 = arith.andi %bitcast_convert_type3A_11, %and3A_13 : vector<512x512xi32>
    %bitcast_convert_type3A_15 = tpu.bitcast %and3A_14 : vector<512x512xi32> -> vector<512x512xf32>
    %shift_left3A_16 = arith.constant 16 : i32
    %shift_left3A_17 = vector.broadcast %shift_left3A_16 : i32 to vector<512x512xi32>
    %shift_left3A_18 = arith.shli %bitcast_convert_type3A_11, %shift_left3A_17 : vector<512x512xi32>
    %bitcast_convert_type3A_19 = tpu.bitcast %shift_left3A_18 : vector<512x512xi32> -> vector<512x512xf32>
    %get3A_20 = arith.constant 0 : index
    %get3A_21 = arith.constant 0 : index
    %get3A_22 = vector.load %arg3[%get3A_20, %get3A_21] : memref<512x1xf32, #tpu.memory_space<vmem>>, vector<512x1xf32>
    %get3A_23 = arith.constant 0 : index
    %get3A_24 = arith.constant 0 : index
    %get3A_25 = vector.load %arg4[%get3A_23, %get3A_24] : memref<512x1xf32, #tpu.memory_space<vmem>>, vector<512x1xf32>
    %mul3A = vector.broadcast %get3A_22 : vector<512x1xf32> to vector<512x512xf32>
    %mul3A_26 = arith.mulf %bitcast_convert_type3A_4, %mul3A : vector<512x512xf32>
    %mul3A_27 = vector.broadcast %get3A_25 : vector<512x1xf32> to vector<512x512xf32>
    %mul3A_28 = arith.mulf %bitcast_convert_type3A_15, %mul3A_27 : vector<512x512xf32>
    %add3A = arith.addf %mul3A_26, %mul3A_28 : vector<512x512xf32>
    %swap3A = arith.constant 0 : index
    %swap3A_29 = arith.constant 0 : index
    %swap3A_30 = vector.load %arg5[%swap3A, %swap3A_29] : memref<512x1024xf32, #tpu.memory_space<vmem>>, vector<512x512xf32>
    tpu.vector_store %arg5[%swap3A, %swap3A_29], %add3A {strides = array<i32>} : memref<512x1024xf32, #tpu.memory_space<vmem>>, vector<512x512xf32>,
    %mul3A_31 = vector.broadcast %get3A_22 : vector<512x1xf32> to vector<512x512xf32>
    %mul3A_32 = arith.mulf %bitcast_convert_type3A_7, %mul3A_31 : vector<512x512xf32>
    %mul3A_33 = vector.broadcast %get3A_25 : vector<512x1xf32> to vector<512x512xf32>
    %mul3A_34 = arith.mulf %bitcast_convert_type3A_19, %mul3A_33 : vector<512x512xf32>
    %add3A_35 = arith.addf %mul3A_32, %mul3A_34 : vector<512x512xf32>
    %swap3A_36 = arith.constant 0 : index
    %swap3A_37 = arith.constant 512 : index
    %swap3A_38 = vector.load %arg5[%swap3A_36, %swap3A_37] : memref<512x1024xf32, #tpu.memory_space<vmem>>, vector<512x512xf32>
    tpu.vector_store %arg5[%swap3A_36, %swap3A_37], %add3A_35 {strides = array<i32>} : memref<512x1024xf32, #tpu.memory_space<vmem>>, vector<512x512xf32>,
    return
  }
  func.func @transform_0(%arg0: i32) -> (i32, i32) {
    %c0_i32 = arith.constant 0 : i32
    %c0_i32_0 = arith.constant 0 : i32
    return %arg0, %c0_i32 : i32, i32
  }
  func.func @transform_1(%arg0: i32) -> (i32, i32) {
    %c0_i32 = arith.constant 0 : i32
    %c0_i32_0 = arith.constant 0 : i32
    return %arg0, %c0_i32 : i32, i32
  }
  func.func @transform_2(%arg0: i32) -> (i32, i32) {
    %c0_i32 = arith.constant 0 : i32
    %c0_i32_0 = arith.constant 0 : i32
    return %arg0, %c0_i32 : i32, i32
  }
  func.func @transform_3(%arg0: i32) -> (i32, i32) {
    %c0_i32 = arith.constant 0 : i32
    %c0_i32_0 = arith.constant 0 : i32
    return %arg0, %c0_i32 : i32, i32
  }
  func.func @transform_4(%arg0: i32) -> (i32, i32) {
    %c0_i32 = arith.constant 0 : i32
    %c0_i32_0 = arith.constant 0 : i32
    return %arg0, %c0_i32 : i32, i32
  }
}

</mosaic_0001>

<sc_bundles>
// kernel: kernel.10.cloned.1.call-start
scs
__scs_entry_jumppad:
0x0: {  	(pc) =	sbr.rel $0x88, $3  }
0x1: {  	(tag) =	ssettag $0x0;
	lr =	simm.s32 $0x1  }
0x2: {  	[smem:$0x3F9D] =	sst lr;
	_ =	strace $0xD0000000  }
0x3: {  	_ = 	snop  }
0x4: {  	_ = 	snop  }
0x5: {  	_ = 	snop  }
0x6: {  	_ = 	snop  }
0x7: {  	_ = 	snop  }
__scs_overlays_trampoline_lowered:
0x8: {  	[smem:$0x3FAC] =	sst s0  }
0x9: {  	[smem:$0x3FAD] =	sst s1  }
0xa: {  	[smem:$0x3FAE] =	sst s2  }
0xb: {  	[smem:$0x3FAF] =	sst s3  }
0xc: {  	[smem:$0x3FB0] =	sst s4  }
0xd: {  	[smem:$0x3FB1] =	sst s5  }
0xe: {  	[smem:$0x3FB2] =	sst s6  }
0xf: {  	[smem:$0x3FB3] =	sst s7  }
0x10: {  	[smem:$0x3FB4] =	sst s8  }
0x11: {  	[smem:$0x3FB5] =	sst s9;
	s0 =	simm.s32 @!p0 $0x0  }
0x12: {  	s1 =	sld [smem:$0x3F9B];
	s0 =	simm.s32 @p0 $0x1  }
0x13: {  	[smem:$0x3FB6] =	sst s0;
	s0 =	simm.s32 @!p1 $0x0  }
0x14: {  	s2 =	sld [smem:$0x3F9A];
	s0 =	simm.s32 @p1 $0x1  }
0x15: {  	[smem:$0x3FB7] =	sst s0;
	s0 =	simm.s32 @!p2 $0x0  }
0x16: {  	s3 =	sld [smem:$0x3FDB];
	s0 =	simm.s32 @p2 $0x1  }
0x17: {  	s4 =	simm.s32 $0x1BF5;
	[smem:$0x3FB9] =	sst s0  }
0x18: {  	s0 =	sld [smem:$0x3F9C];
	_ =	swait.ge [sflag:s4], $0x0  }
0x19: {  	s7 =	sld [smem:$0x3F9D]  }
0x1a: {  	s8 =	sadd.s32 $0xFFFFE003, lr  }
0x1b: {  	s9 =	sadd.s32 $0xFFFFFEF7, lr;
	s5 =	simm.s32 $0xFFFFFFFF;
	p2 =	slt.u32 s8, $0xFFFFF086  }
0x1c: {  	p1 =	slt.u32 s9, $0xF7A;
	s5 =	simm.s32 @!p2 $0x0  }
0x1d: {  	s5 =	simm.s32 @p1 $0x1;
	p0 =	seq.s32 s7, s2  }
0x1e: {  	s7 =	smul.u32 @!p0 $0xF7A, s2;
	p2 =	seq.s32 @!p0 s5, $0x0  }
0x1f: {  	s9 =	smul.u32 $0xF7A, s1;
	s8 =	simm.s32 @!p0 $0x1BF5;
	p2 =	por !p2, p0  }
0x20: {  	[sflag:s8] =	ssyncset.s32 @!p0 $0xFFFFF086;
	s6 =	sadd.s32 @!p0 s3, s7;
	s7 =	simm.s32 @!p0 $0x108  }
0x21: {  	s3 =	sadd.s32 s3, s9;
	s6 =	sadd.s32 @!p0 $0x88, s6;
	s7 =	simm.s32 @p2 $0x1082  }
0x22: {  	[simem:s7], [sflag:s8] =	dma.local @!p0 [hbm:s6], $0xF7A  }
0x23: {  	s9 =	sor.u32 $0xD0000000, s2;
	s6 =	simm.s32 $0x108;
	_ =	swait.ge @!p0 [sflag:s8], $0x0  }
0x24: {  	s3 =	sadd.s32 $0x88, s3;
	s6 =	simm.s32 @!p1 $0x1082;
	[sflag:s4] =	ssyncset.s32 $0xFFFFF086  }
0x25: {  	[simem:s6], [sflag:s4] =	dma.local [hbm:s3], $0xF7A  }
0x26: {  	[smem:$0x3F9D] =	sst s1;
	(tag) =	ssettag s2;
	_ =	strace s9  }
0x27: {  	s1 =	sld [smem:$0x3FAD]  }
0x28: {  	s2 =	sld [smem:$0x3FAE]  }
0x29: {  	s4 =	sld [smem:$0x3FB0]  }
0x2a: {  	p0 =	seq.s32 s5, $0x0;
	s5 =	sld [smem:$0x3FB1]  }
0x2b: {  	s6 =	sld [smem:$0x3FB2]  }
0x2c: {  	s7 =	sld [smem:$0x3FB3]  }
0x2d: {  	s3 =	simm.s32 $0x108;
	s8 =	sld [smem:$0x3FB4]  }
0x2e: {  	s3 =	simm.s32 @!p0 $0x1082;
	s9 =	sld [smem:$0x3FB5]  }
0x2f: {  	lr =	sadd.s32 s0, s3;
	s0 =	sld [smem:$0x3FAC]  }
0x30: {  	s3 =	sld [smem:$0x3FAF]  }
0x31: {  	[smem:$0x3FB8] =	sst s10  }
0x32: {  	s10 =	sld [smem:$0x3FB6];
	_ =	sdelay $0x3  }
0x33: {  	p0 =	seq.s32 s10, $0x1;
	s10 =	sld [smem:$0x3FB8];
	_ =	sdelay $0x3  }
0x34: {  	[smem:$0x3FB8] =	sst s10  }
0x35: {  	s10 =	sld [smem:$0x3FB7];
	_ =	sdelay $0x3  }
0x36: {  	p1 =	seq.s32 s10, $0x1;
	s10 =	sld [smem:$0x3FB8];
	_ =	sdelay $0x3  }
0x37: {  	[smem:$0x3FB8] =	sst s10  }
0x38: {  	s10 =	sld [smem:$0x3FB9]  }
0x39: {  	_ = 	snop;
	(pc) =	sbr.ind lr, $3  }
0x3a: {  	_ = 	snop  }
0x3b: {  	_ = 	snop  }
0x3c: {  	p2 =	seq.s32 s10, $0x1;
	s10 =	sld [smem:$0x3FB8]  }
0x3d: {  	_ =	shalt  }
0x3e: {  	_ =	shalt  }
0x3f: {  	_ =	shalt  }
0x40: {  	_ =	shalt  }
0x41: {  	_ =	shalt  }
0x42: {  	_ =	shalt  }
0x43: {  	_ =	shalt  }
0x44: {  	_ =	shalt  }
0x45: {  	_ =	shalt  }
0x46: {  	_ =	shalt  }
0x47: {  	_ =	shalt  }
0x48: {  	_ =	shalt  }
0x49: {  	_ =	shalt  }
0x4a: {  	_ =	shalt  }
0x4b: {  	_ =	shalt  }
0x4c: {  	_ =	shalt  }
0x4d: {  	_ =	shalt  }
0x4e: {  	_ =	shalt  }
0x4f: {  	_ =	shalt  }
0x50: {  	_ =	shalt  }
0x51: {  	_ =	shalt  }
0x52: {  	_ =	shalt  }
0x53: {  	_ =	shalt  }
0x54: {  	_ =	shalt  }
0x55: {  	_ =	shalt  }
0x56: {  	_ =	shalt  }
0x57: {  	_ =	shalt  }
0x58: {  	_ =	shalt  }
0x59: {  	_ =	shalt  }
0x5a: {  	_ =	shalt  }
0x5b: {  	_ =	shalt  }
0x5c: {  	_ =	shalt  }
0x5d: {  	_ =	shalt  }
0x5e: {  	_ =	shalt  }
0x5f: {  	_ =	shalt  }
0x60: {  	_ =	shalt  }
0x61: {  	_ =	shalt  }
0x62: {  	_ =	shalt  }
0x63: {  	_ =	shalt  }
0x64: {  	_ =	shalt  }
0x65: {  	_ =	shalt  }
0x66: {  	_ =	shalt  }
0x67: {  	_ =	shalt  }
0x68: {  	_ =	shalt  }
0x69: {  	_ =	shalt  }
0x6a: {  	_ =	shalt  }
0x6b: {  	_ =	shalt  }
0x6c: {  	_ =	shalt  }
0x6d: {  	_ =	shalt  }
0x6e: {  	_ =	shalt  }
0x6f: {  	_ =	shalt  }
0x70: {  	_ =	shalt  }
0x71: {  	_ =	shalt  }
0x72: {  	_ =	shalt  }
0x73: {  	_ =	shalt  }
0x74: {  	_ =	shalt  }
0x75: {  	_ =	shalt  }
0x76: {  	_ =	shalt  }
0x77: {  	_ =	shalt  }
0x78: {  	_ =	shalt  }
0x79: {  	_ =	shalt  }
0x7a: {  	_ =	shalt  }
0x7b: {  	_ =	shalt  }
0x7c: {  	_ =	shalt  }
0x7d: {  	_ =	shalt  }
0x7e: {  	_ =	shalt  }
0x7f: {  	_ =	shalt  }
0x80: {  	_ =	shalt  }
0x81: {  	_ =	shalt  }
0x82: {  	_ =	shalt  }
0x83: {  	_ =	shalt  }
0x84: {  	_ =	shalt  }
0x85: {  	_ =	shalt  }
0x86: {  	_ =	shalt  }
0x87: {  	_ =	shalt  }
.Lfunc_end0:
.L_simem_size_0:
called_computation.1_lowered:
.L_overlay_start_0:
0x88: {  	s2 =	sld [smem:$0x3FD9]  }
0x89: {  	s3 =	sld [smem:$0x3FFE];
	_ =	sdelay $0x1  }
0x8a: {  	s1 =	srdreg.scid  }
0x8b: {  	s0 =	sand.u32 $0x1, s1  }
0x8c: {  	s17 =	sshll.u32 s0, $0xA;
	s2 =	sadd.s32 s3, s2  }
0x8d: {  	s2 =	sadd.s32 s2, s17  }
0x8e: {  	[smem:$0x3FC4] =	sst s2  }
0x8f: {  	_ = 	snop  }
0x90: {  	s2 =	sld [smem:$0x3FD0];
	(tm) =	ssettm $0x1  }
0x91: {  	s18 =	sld [smem:$0x3FFB];
	_ =	sdelay $0x3  }
0x92: {  	_ =	strace s18  }
0x93: {  	s3 =	sld [smem:$0x3FFC];
	_ =	sdelay $0x3  }
0x94: {  	_ =	strace s3  }
0x95: {  	s3 =	sld [smem:$0x3FFD];
	_ =	sdelay $0x3  }
0x96: {  	_ =	strace s3  }
0x97: {  	_ =	strace $0x8FFFFFFF  }
0x98: {  	s19 =	sld [smem:$0x3FDB];
	_ =	sdelay $0x1  }
0x99: {  	s4 =	simm.s32 $_scs_section_size  }
0x9a: {  	s5 =	simm.s32 $_size__tile_overlayer_lowered;
	s6 =	simm.s32 $_tile_overlayer_lowered  }
0x9b: {  	s22 =	simm.s32 $0x1BFF;
	s21 =	sshll.u32 s6, $0x1;
	s3 =	sadd.s32 s4, s19  }
0x9c: {  	s7 =	simm.s32 $0x0;
	s20 =	sshll.u32 s5, $0x1;
	s5 =	sadd.s32 s21, s3  }
0x9d: {  	[timem:s7], [sflag:s22] =	dma.local [hbm:s5], s20  }
0x9e: {  	_ =	swait.ge [sflag:s22], s20  }
0x9f: {  	s4 =	ssub.s32 $0x0, s20;
	[sflag:s22] =	ssyncset.done $0x0  }
0xa0: {  	[sflag:s22] =	ssyncadd.s32 s4;
	_ =	sdelay $0x1  }
0xa1: {  	s23 =	simm.s32 $0x1B8B  }
0xa2: {  	_ =	swait.ge [sflag:s23], $0x1  }
0xa3: {  	[sflag:s23] =	ssyncset.done $0x0  }
0xa4: {  	s25 =	simm.s32 $0x1B8E;
	s24 =	sld [smem:$0x3FFE];
	[sflag:s23] =	ssyncadd.s32 $0xFFFFFFFF  }
0xa5: {  	s26 =	simm.s32 $execute0_lowered;
	[smem:$0x3FD2] =	sst s25  }
0xa6: {  	s5 =	sshll.u32 s26, $0x1;
	_ =	strace $0x80000049;
	[dreg:$0x1] =	wrdreg $0xFFFFFFFF  }
0xa7: {  	s28 =	simm.s32 $_size_execute0_lowered;
	s3 =	sadd.s32 s3, s5;
	[dreg:$0x0] =	wrdreg $0x0  }
0xa8: {  	s5 =	sshll.u32 s28, $0x1;
	[dreg:$0x2] =	wrdreg s3  }
0xa9: {  	[dreg:$0x3] =	wrdreg s5  }
0xaa: {  	[dreg:$0x4] =	wrdreg $0xC0  }
0xab: {  	_ =	task [dreg:s7], $0x5FFFF  }
0xac: {  	[dreg:$0x1] =	wrdreg $0xFFFFFFFF  }
0xad: {  	[dreg:$0x0] =	wrdreg $0x60  }
0xae: {  	[dreg:$0x2] =	wrdreg s24  }
0xaf: {  	[dreg:$0x3] =	wrdreg s2  }
0xb0: {  	[dreg:$0x4] =	wrdreg $0x9  }
0xb1: {  	_ =	task.clear_ibuf [dreg:s7], $0x5FFFF;
	_ =	strace $0x90000049  }
0xb2: {  	s29 =	simm.s32 $0x9;
	_ =	strace $0x8000004B  }
0xb3: {  	_ =	swait.ge [sflag:s29], $0x1  }
0xb4: {  	[sflag:s29] =	ssyncadd.s32 $0xFFFFFFFF  }
0xb5: {  	_ =	strace $0x9000004B  }
0xb6: {  	_ =	sfence  }
0xb7: {  	s30 =	sld [smem:$0x0];
	_ =	sdelay $0x2  }
0xb8: {  	s31 =	sshll.u32 s1, $0xD;
	s1 =	sshrl.u32 s1, $0x2  }
0xb9: {  	s3 =	sand.u32 $0x4000, s31;
	s1 =	sadd.s32 s1, s30  }
0xba: {  	s0 =	sor.u32 s3, s0;
	s1 =	sshll.u32 s1, $0x11  }
0xbb: {  	s0 =	sor.u32 s1, s0  }
0xbc: {  	s0 =	sadd.s32 $0x8F2B, s0  }
0xbd: {  	[sflag:s0] =	ssyncadd.remote.s32 $0x1  }
0xbe: {  	_ =	sfence.sel $0xFFFF  }
0xbf: {  	[dreg:$0x0] =	wrdreg $0xFFFFFFFF;
	(pc) =	sbr.abs _section_cstart, $3  }
0xc0: {  	[dreg:$0x1] =	wrdreg $0xFFFFFFFF  }
0xc1: {  	_ =	task.clear_ibuf [dreg:s7], $0x2FFFF;
	_ =	strace $0x9FFFFFFF  }
0xc2: {  	(tm) =	ssettm $0x7FFFFFFF  }
0xc3: {  	_ =	shalt  }
tec
execute0_lowered:
.L_overlay_start_1:
0x0: {  	(tag) =	ssettag $0x1  }
0x1: {  	s1 =	srdreg.scid;
	s2 =	rddreg [dreg:$0x0]  }
0x2: {  	s0 =	stileid.u32;
	s5 =	rddreg [dreg:$0x1];
	s17 =	simm.s32 $0x10000  }
0x3: {  	s18 =	simm.s32 $0x10080;
	s19 =	simm.s32 $0x800;
	s20 =	simm.s32 $0x1000  }
0x4: {  	s21 =	simm.s32 $0x1800;
	s23 =	simm.s32 $0x2000;
	s24 =	simm.s32 $0x2800  }
0x5: {  	s25 =	simm.s32 $0x3000;
	s26 =	simm.s32 $0x3800;
	s1 =	sand.u32 $0x1, s1  }
0x6: {  	s8 =	simm.s32 $0x4800;
	s3 =	sshll.u32 s0, $0x7;
	s4 =	sshll.u32 s1, $0x6  }
0x7: {  	s9 =	simm.s32 $0x5000;
	s4 =	sor.u32 s4, s3;
	s3 =	simm.s32 $0x0  }
0x8: {  	s10 =	simm.s32 $0x5800;
	s11 =	simm.s32 $0x6000;
	[smem:$0x7FF] =	sst s3  }
0x9: {  	s12 =	simm.s32 $0x6800;
	_ =	strace $0x8000004A;
	[dreg:$0x7] =	wrdreg s17  }
0xa: {  	s13 =	simm.s32 $0x7000;
	s14 =	simm.s32 $0x7800;
	[dreg:$0x8] =	wrdreg s18  }
0xb: {  	s28 =	simm.s32 $0xE000;
	s29 =	simm.s32 $0xE800;
	[dreg:$0x9] =	wrdreg s19  }
0xc: {  	s30 =	simm.s32 $0xF000;
	s1 =	ssub.s32 $0x2, s1;
	[dreg:$0xa] =	wrdreg s20  }
0xd: {  	s31 =	simm.s32 $0xF800;
	s22 =	sshrl.u32 s1, $0x1;
	[dreg:$0xb] =	wrdreg s21  }
0xe: {  	s6 =	sshrl.u32 s4, $0x3;
	s4 =	sshll.u32 s4, $0x6;
	[dreg:$0xc] =	wrdreg s23  }
0xf: {  	s1 =	ssub.s32 s1, s22;
	s22 =	simm.s32 $0xB800;
	[dreg:$0xd] =	wrdreg s24  }
0x10: {  	s6 =	sadd.s32 s6, s2;
	s15 =	sadd.s32 s4, s2;
	[dreg:$0xe] =	wrdreg s25  }
0x11: {  	s4 =	sadd.s32 s5, s4;
	s5 =	smax.u32 s1, $0x1;
	[dreg:$0xf] =	wrdreg s26  }
0x12: {  	s17 =	simm.s32 $0x9000;
	s18 =	simm.s32 $0x9800;
	s19 =	simm.s32 $0xA000  }
0x13: {  	s20 =	simm.s32 $0xA800;
	s21 =	simm.s32 $0xB000;
	s23 =	simm.s32 $0xC000  }
0x14: {  	s24 =	simm.s32 $0xC800;
	s25 =	simm.s32 $0xD000;
	s26 =	simm.s32 $0xD800  }
0x15: {  	s1 =	simm.s32 $0x1;
	s7 =	sadd.s32 $0x100200, s6;
	[dreg:$0x5] =	wrdreg s4  }
0x16: {  	v2 =	vlaneseq.u32;
	s6 =	sadd.s32 $0x100400, s6;
	s16 =	sadd.s32 $0x60000, s15;
	[dreg:$0x3] =	wrdreg s7  }
0x17: {  	vm0 =	vmmov $0xffff;
	v1 =	vshrl.u32 v2, $0x3;
	s4 =	sadd.s32 $0x100, s2;
	s15 =	simm.s32 $0x8000;
	[dreg:$0x4] =	wrdreg s6  }
0x18: {  	v0 =	vand.u32 $0x7, v2;
	v2 =	vor.u32 $0x8, v2;
	v1 =	vmul.u32 $0x8, v1;
	[dreg:$0x6] =	wrdreg s16;
	s6 =	simm.s32 $0x2;
	s16 =	simm.s32 $0x8800  }
.LBB2_1:
0x19: {  	s0 =	rddreg [dreg:$0x3]  }
0x1a: {  	s7 =	rddreg [dreg:$0x7]  }
0x1b: {  	[tilespmem:s7], [sflag:$0x2] =	stream.linear.gather [hbm4b:s0+s3], $0x40, $0x38;
	[tilespmem:$0x10100] =	vst v63  }
0x1c: {  	_ =	swait.ge [sflag:s6], $0x40  }
0x1d: {  	s0 =	rddreg [dreg:$0x4];
	[sflag:s6] =	ssyncset.done $0x0  }
0x1e: {  	s7 =	rddreg [dreg:$0x8];
	[sflag:s6] =	ssyncadd.s32 $0xFFFFFFC0  }
0x1f: {  	[tilespmem:s7], [sflag:$0x2] =	stream.linear.gather [hbm4b:s0+s3], $0x40, $0x38;
	[tilespmem:$0x10100] =	vst v63  }
0x20: {  	_ =	swait.ge [sflag:s6], $0x40  }
0x21: {  	[sflag:s6] =	ssyncset.done $0x0  }
0x22: {  	[sflag:s6] =	ssyncadd.s32 $0xFFFFFFC0  }
0x23: {  	v3 =	vld [tilespmem:$0x10000];
	_ =	sdelay $0x4  }
0x24: {  	v4 =	vshll.u32 v3, $0x2  }
0x25: {  	v3 =	vand.u32 $0x7, v3;
	v4 =	vand.u32 $0xFFFFFFE0, v4  }
0x26: {  	v3 =	vor.u32 v3, v4  }
0x27: {  	v4 =	vperm.xlane v3, v0;
	_ =	sdelay $0x1  }
0x28: {  	v4 =	vadd.s32 v1, v4;
	_ =	sdelay $0x1  }
0x29: {  	v3 =	vperm.xlane v3, v2;
	_ =	sdelay $0x1  }
0x2a: {  	v3 =	vadd.s32 v1, v3  }
0x2b: {  	[tilespmem:s3], [sflag:$0x1] =	stream.indirect_vreg.gather [hbm4b:s2+s3], $0x80, v4, vm0, $0xb8;
	[tilespmem:$0x10100] =	vst v63  }
0x2c: {  	s0 =	rddreg [dreg:$0x9]  }
0x2d: {  	[tilespmem:s0], [sflag:$0x1] =	stream.indirect_vreg.gather [hbm4b:s4+s3], $0x80, v4, vm0, $0xb8;
	[tilespmem:$0x10100] =	vst v63  }
0x2e: {  	s7 =	rddreg [dreg:$0xa]  }
0x2f: {  	[tilespmem:s7], [sflag:$0x1] =	stream.indirect_vreg.gather [hbm4b:s2+s3], $0x80, v3, vm0, $0xb8;
	[tilespmem:$0x10100] =	vst v63  }
0x30: {  	s0 =	rddreg [dreg:$0xb]  }
0x31: {  	[tilespmem:s0], [sflag:$0x1] =	stream.indirect_vreg.gather [hbm4b:s4+s3], $0x80, v3, vm0, $0xb8;
	[tilespmem:$0x10100] =	vst v63  }
0x32: {  	v3 =	vld [tilespmem:$0x10010];
	_ =	sdelay $0x4  }
0x33: {  	v57 =	vshll.u32 v3, $0x2  }
0x34: {  	v3 =	vand.u32 $0x7, v3;
	v4 =	vand.u32 $0xFFFFFFE0, v57  }
0x35: {  	v3 =	vor.u32 v3, v4  }
0x36: {  	v4 =	vperm.xlane v3, v0;
	_ =	sdelay $0x1  }
0x37: {  	v4 =	vadd.s32 v1, v4;
	_ =	sdelay $0x1  }
0x38: {  	v3 =	vperm.xlane v3, v2;
	_ =	sdelay $0x1  }
0x39: {  	s0 =	rddreg [dreg:$0xc];
	v3 =	vadd.s32 v1, v3  }
0x3a: {  	[tilespmem:s0], [sflag:$0x1] =	stream.indirect_vreg.gather [hbm4b:s2+s3], $0x80, v4, vm0, $0xb8;
	[tilespmem:$0x10100] =	vst v63  }
0x3b: {  	s7 =	rddreg [dreg:$0xd]  }
0x3c: {  	[tilespmem:s7], [sflag:$0x1] =	stream.indirect_vreg.gather [hbm4b:s4+s3], $0x80, v4, vm0, $0xb8;
	[tilespmem:$0x10100] =	vst v63  }
0x3d: {  	s0 =	rddreg [dreg:$0xe]  }
0x3e: {  	[tilespmem:s0], [sflag:$0x1] =	stream.indirect_vreg.gather [hbm4b:s2+s3], $0x80, v3, vm0, $0xb8;
	[tilespmem:$0x10100] =	vst v63  }
0x3f: {  	s7 =	rddreg [dreg:$0xf]  }
0x40: {  	[tilespmem:s7], [sflag:$0x1] =	stream.indirect_vreg.gather [hbm4b:s4+s3], $0x80, v3, vm0, $0xb8;
	[tilespmem:$0x10100] =	vst v63  }
0x41: {  	v3 =	vld [tilespmem:$0x10020];
	_ =	sdelay $0x4  }
0x42: {  	v58 =	vshll.u32 v3, $0x2  }
0x43: {  	v3 =	vand.u32 $0x7, v3;
	v4 =	vand.u32 $0xFFFFFFE0, v58  }
0x44: {  	v3 =	vor.u32 v3, v4  }
0x45: {  	v4 =	vperm.xlane v3, v0;
	_ =	sdelay $0x1  }
0x46: {  	v4 =	vadd.s32 v1, v4;
	_ =	sdelay $0x1  }
0x47: {  	v3 =	vperm.xlane v3, v2;
	_ =	sdelay $0x1  }
0x48: {  	s7 =	simm.s32 $0x4000;
	v3 =	vadd.s32 v1, v3  }
0x49: {  	[tilespmem:s7], [sflag:$0x1] =	stream.indirect_vreg.gather [hbm4b:s2+s3], $0x80, v4, vm0, $0xb8;
	[tilespmem:$0x10100] =	vst v63  }
0x4a: {  	_ = 	snop  }
0x4b: {  	[tilespmem:s8], [sflag:$0x1] =	stream.indirect_vreg.gather [hbm4b:s4+s3], $0x80, v4, vm0, $0xb8;
	[tilespmem:$0x10100] =	vst v63  }
0x4c: {  	_ = 	snop  }
0x4d: {  	[tilespmem:s9], [sflag:$0x1] =	stream.indirect_vreg.gather [hbm4b:s2+s3], $0x80, v3, vm0, $0xb8;
	[tilespmem:$0x10100] =	vst v63  }
0x4e: {  	_ = 	snop  }
0x4f: {  	[tilespmem:s10], [sflag:$0x1] =	stream.indirect_vreg.gather [hbm4b:s4+s3], $0x80, v3, vm0, $0xb8;
	[tilespmem:$0x10100] =	vst v63  }
0x50: {  	v3 =	vld [tilespmem:$0x10030];
	_ =	sdelay $0x4  }
0x51: {  	v59 =	vshll.u32 v3, $0x2  }
0x52: {  	v3 =	vand.u32 $0x7, v3;
	v4 =	vand.u32 $0xFFFFFFE0, v59  }
0x53: {  	v3 =	vor.u32 v3, v4  }
0x54: {  	v4 =	vperm.xlane v3, v0;
	_ =	sdelay $0x1  }
0x55: {  	v4 =	vadd.s32 v1, v4;
	_ =	sdelay $0x1  }
0x56: {  	v3 =	vperm.xlane v3, v2;
	_ =	sdelay $0x1  }
0x57: {  	v3 =	vadd.s32 v1, v3  }
0x58: {  	[tilespmem:s11], [sflag:$0x1] =	stream.indirect_vreg.gather [hbm4b:s2+s3], $0x80, v4, vm0, $0xb8;
	[tilespmem:$0x10100] =	vst v63  }
0x59: {  	_ = 	snop  }
0x5a: {  	[tilespmem:s12], [sflag:$0x1] =	stream.indirect_vreg.gather [hbm4b:s4+s3], $0x80, v4, vm0, $0xb8;
	[tilespmem:$0x10100] =	vst v63  }
0x5b: {  	_ = 	snop  }
0x5c: {  	[tilespmem:s13], [sflag:$0x1] =	stream.indirect_vreg.gather [hbm4b:s2+s3], $0x80, v3, vm0, $0xb8;
	[tilespmem:$0x10100] =	vst v63  }
0x5d: {  	_ = 	snop  }
0x5e: {  	[tilespmem:s14], [sflag:$0x1] =	stream.indirect_vreg.gather [hbm4b:s4+s3], $0x80, v3, vm0, $0xb8;
	[tilespmem:$0x10100] =	vst v63  }
0x5f: {  	v3 =	vld [tilespmem:$0x10080];
	_ =	sdelay $0x4  }
0x60: {  	v60 =	vshll.u32 v3, $0x2  }
0x61: {  	v3 =	vand.u32 $0x7, v3;
	v4 =	vand.u32 $0xFFFFFFE0, v60  }
0x62: {  	v3 =	vor.u32 v3, v4  }
0x63: {  	v4 =	vperm.xlane v3, v0;
	_ =	sdelay $0x1  }
0x64: {  	v4 =	vadd.s32 v1, v4;
	_ =	sdelay $0x1  }
0x65: {  	v3 =	vperm.xlane v3, v2;
	_ =	sdelay $0x1  }
0x66: {  	v3 =	vadd.s32 v1, v3  }
0x67: {  	[tilespmem:s15], [sflag:$0x1] =	stream.indirect_vreg.gather [hbm4b:s2+s3], $0x80, v4, vm0, $0xb8;
	[tilespmem:$0x10100] =	vst v63  }
0x68: {  	_ = 	snop  }
0x69: {  	[tilespmem:s16], [sflag:$0x1] =	stream.indirect_vreg.gather [hbm4b:s4+s3], $0x80, v4, vm0, $0xb8;
	[tilespmem:$0x10100] =	vst v63  }
0x6a: {  	_ = 	snop  }
0x6b: {  	[tilespmem:s17], [sflag:$0x1] =	stream.indirect_vreg.gather [hbm4b:s2+s3], $0x80, v3, vm0, $0xb8;
	[tilespmem:$0x10100] =	vst v63  }
0x6c: {  	_ = 	snop  }
0x6d: {  	[tilespmem:s18], [sflag:$0x1] =	stream.indirect_vreg.gather [hbm4b:s4+s3], $0x80, v3, vm0, $0xb8;
	[tilespmem:$0x10100] =	vst v63  }
0x6e: {  	v3 =	vld [tilespmem:$0x10090];
	_ =	sdelay $0x4  }
0x6f: {  	v61 =	vshll.u32 v3, $0x2  }
0x70: {  	v3 =	vand.u32 $0x7, v3;
	v4 =	vand.u32 $0xFFFFFFE0, v61  }
0x71: {  	v3 =	vor.u32 v3, v4  }
0x72: {  	v4 =	vperm.xlane v3, v0;
	_ =	sdelay $0x1  }
0x73: {  	v4 =	vadd.s32 v1, v4;
	_ =	sdelay $0x1  }
0x74: {  	v3 =	vperm.xlane v3, v2;
	_ =	sdelay $0x1  }
0x75: {  	v3 =	vadd.s32 v1, v3  }
0x76: {  	[tilespmem:s19], [sflag:$0x1] =	stream.indirect_vreg.gather [hbm4b:s2+s3], $0x80, v4, vm0, $0xb8;
	[tilespmem:$0x10100] =	vst v63  }
0x77: {  	_ = 	snop  }
0x78: {  	[tilespmem:s20], [sflag:$0x1] =	stream.indirect_vreg.gather [hbm4b:s4+s3], $0x80, v4, vm0, $0xb8;
	[tilespmem:$0x10100] =	vst v63  }
0x79: {  	_ = 	snop  }
0x7a: {  	[tilespmem:s21], [sflag:$0x1] =	stream.indirect_vreg.gather [hbm4b:s2+s3], $0x80, v3, vm0, $0xb8;
	[tilespmem:$0x10100] =	vst v63  }
0x7b: {  	_ = 	snop  }
0x7c: {  	[tilespmem:s22], [sflag:$0x1] =	stream.indirect_vreg.gather [hbm4b:s4+s3], $0x80, v3, vm0, $0xb8;
	[tilespmem:$0x10100] =	vst v63  }
0x7d: {  	v3 =	vld [tilespmem:$0x100A0];
	_ =	sdelay $0x4  }
0x7e: {  	v62 =	vshll.u32 v3, $0x2  }
0x7f: {  	v3 =	vand.u32 $0x7, v3;
	v4 =	vand.u32 $0xFFFFFFE0, v62  }
0x80: {  	v3 =	vor.u32 v3, v4  }
0x81: {  	v4 =	vperm.xlane v3, v0;
	_ =	sdelay $0x1  }
0x82: {  	v4 =	vadd.s32 v1, v4;
	_ =	sdelay $0x1  }
0x83: {  	v3 =	vperm.xlane v3, v2;
	_ =	sdelay $0x1  }
0x84: {  	v3 =	vadd.s32 v1, v3  }
0x85: {  	[tilespmem:s23], [sflag:$0x1] =	stream.indirect_vreg.gather [hbm4b:s2+s3], $0x80, v4, vm0, $0xb8;
	[tilespmem:$0x10100] =	vst v63  }
0x86: {  	_ = 	snop  }
0x87: {  	[tilespmem:s24], [sflag:$0x1] =	stream.indirect_vreg.gather [hbm4b:s4+s3], $0x80, v4, vm0, $0xb8;
	[tilespmem:$0x10100] =	vst v63  }
0x88: {  	_ = 	snop  }
0x89: {  	[tilespmem:s25], [sflag:$0x1] =	stream.indirect_vreg.gather [hbm4b:s2+s3], $0x80, v3, vm0, $0xb8;
	[tilespmem:$0x10100] =	vst v63  }
0x8a: {  	_ = 	snop  }
0x8b: {  	[tilespmem:s26], [sflag:$0x1] =	stream.indirect_vreg.gather [hbm4b:s4+s3], $0x80, v3, vm0, $0xb8;
	[tilespmem:$0x10100] =	vst v63  }
0x8c: {  	v3 =	vld [tilespmem:$0x100B0];
	_ =	sdelay $0x4  }
0x8d: {  	v63 =	vshll.u32 v3, $0x2  }
0x8e: {  	v3 =	vand.u32 $0x7, v3;
	v4 =	vand.u32 $0xFFFFFFE0, v63  }
0x8f: {  	v3 =	vor.u32 v3, v4  }
0x90: {  	v4 =	vperm.xlane v3, v0;
	_ =	sdelay $0x1  }
0x91: {  	v4 =	vadd.s32 v1, v4;
	_ =	sdelay $0x1  }
0x92: {  	v3 =	vperm.xlane v3, v2;
	_ =	sdelay $0x1  }
0x93: {  	v3 =	vadd.s32 v1, v3  }
0x94: {  	[tilespmem:s28], [sflag:$0x1] =	stream.indirect_vreg.gather [hbm4b:s2+s3], $0x80, v4, vm0, $0xb8;
	[tilespmem:$0x10100] =	vst v63  }
0x95: {  	_ = 	snop  }
0x96: {  	[tilespmem:s29], [sflag:$0x1] =	stream.indirect_vreg.gather [hbm4b:s4+s3], $0x80, v4, vm0, $0xb8;
	[tilespmem:$0x10100] =	vst v63  }
0x97: {  	_ = 	snop  }
0x98: {  	[tilespmem:s30], [sflag:$0x1] =	stream.indirect_vreg.gather [hbm4b:s2+s3], $0x80, v3, vm0, $0xb8;
	[tilespmem:$0x10100] =	vst v63  }
0x99: {  	_ = 	snop  }
0x9a: {  	[tilespmem:s31], [sflag:$0x1] =	stream.indirect_vreg.gather [hbm4b:s4+s3], $0x80, v3, vm0, $0xb8;
	[tilespmem:$0x10100] =	vst v63  }
0x9b: {  	_ =	swait.ge [sflag:s1], $0x8000  }
0x9c: {  	[sflag:s1] =	ssyncset.done $0x0  }
0x9d: {  	s7 =	rddreg [dreg:$0x5];
	[sflag:s1] =	ssyncadd.s32 $0xFFFF8000  }
0x9e: {  	[hbm4b:s7+s3] =	stream.linear.scatter [tilespmem:s3], [sflag:$0x2], $0x8000, $0x38;
	[tilespmem:$0x10100] =	vst v63  }
0x9f: {  	_ =	swait.ge [sflag:s6], $0x8000  }
0xa0: {  	[sflag:s6] =	ssyncset.done $0x0  }
0xa1: {  	[sflag:s6] =	ssyncadd.s32 $0xFFFF8000  }
0xa2: {  	_ =	swait.ge [sflag:s1], $0x8000  }
0xa3: {  	p0 =	sne.s32 s5, $0x1;
	[sflag:s1] =	ssyncset.done $0x0  }
.Ltmp0:
0xa4: {  	s7 =	rddreg [dreg:$0x6];
	[sflag:s1] =	ssyncadd.s32 $0xFFFF8000;
	(pc) =	sbr.rel @p0 .LBB2_1-.Ltmp0, $4  }
0xa5: {  	[hbm4b:s7+s3] =	stream.linear.scatter [tilespmem:s15], [sflag:$0x2], $0x8000, $0x38;
	[tilespmem:$0x10100] =	vst v63  }
0xa6: {  	_ =	swait.ge [sflag:s6], $0x8000  }
0xa7: {  	[sflag:s6] =	ssyncset.done $0x0  }
0xa8: {  	s5 =	sadd.s32 $0xFFFFFFFF, s5;
	[sflag:s6] =	ssyncadd.s32 $0xFFFF8000  }
0xa9: {  	_ =	sfence.sel $0x180000  }
0xaa: {  	[bflag:$0x0] =	sbarrier.arrive $0xFFFF  }
0xab: {  	_ =	strace $0x9000004A  }
0xac: {  	s0 =	stileid.u32;
	[bflag:$0x2] =	sbarrier.arrive $0xFFFF  }
0xad: {  	p0 =	sne.s32 s0, $0x0;
	s0 =	rddreg [dreg:$0x2]  }
0xae: {  	s0 =	sadd.s32 @!p0 $0x100000, s0  }
0xaf: {  	[sflag:s0] =	ssyncadd.tile.s32 @!p0 $0x1;
	_ =	shalt  }
.Lfunc_end2:
_tile_overlayer_lowered:
.L_overlay_start_2:
0xb0: {  	(tag) =	ssettag $0x2  }
0xb1: {  	s0 =	rddreg [dreg:$0x0];
	s2 =	stileid.u32  }
0xb2: {  	s1 =	rddreg [dreg:$0x1];
	p0 =	sne.s32 s2, $0x0  }
0xb3: {  	s3 =	rddreg [dreg:$0x2];
	[bflag:$0x3] =	sbarrier.arrive $0xFFFF;
	s2 =	simm.s32 @!p0 $0x1C02  }
0xb4: {  	[timem:s3], [sflag:s2] =	dma.local @!p0 [hbm:s0], s1  }
0xb5: {  	s0 =	simm.s32 @!p0 $0x2  }
0xb6: {  	_ =	swait.ge @!p0 [sflag:s0], s1  }
0xb7: {  	s1 =	ssub.s32 @!p0 $0x0, s1;
	[sflag:s0] =	ssyncset.done @!p0 $0x0  }
0xb8: {  	[sflag:s0] =	ssyncadd.s32 @!p0 s1  }
0xb9: {  	[bflag:$0x3] =	sbarrier.arrive $0xFFFF  }
0xba: {  	_ =	shalt  }

// kernel: kernel.7.cloned.1.call-start
scs
__scs_entry_jumppad:
0x0: {  	(pc) =	sbr.rel $0x88, $3  }
0x1: {  	(tag) =	ssettag $0x0;
	lr =	simm.s32 $0x1  }
0x2: {  	[smem:$0x3F9D] =	sst lr;
	_ =	strace $0xD0000000  }
0x3: {  	_ = 	snop  }
0x4: {  	_ = 	snop  }
0x5: {  	_ = 	snop  }
0x6: {  	_ = 	snop  }
0x7: {  	_ = 	snop  }
__scs_overlays_trampoline_lowered:
0x8: {  	[smem:$0x3FAC] =	sst s0  }
0x9: {  	[smem:$0x3FAD] =	sst s1  }
0xa: {  	[smem:$0x3FAE] =	sst s2  }
0xb: {  	[smem:$0x3FAF] =	sst s3  }
0xc: {  	[smem:$0x3FB0] =	sst s4  }
0xd: {  	[smem:$0x3FB1] =	sst s5  }
0xe: {  	[smem:$0x3FB2] =	sst s6  }
0xf: {  	[smem:$0x3FB3] =	sst s7  }
0x10: {  	[smem:$0x3FB4] =	sst s8  }
0x11: {  	[smem:$0x3FB5] =	sst s9;
	s0 =	simm.s32 @!p0 $0x0  }
0x12: {  	s1 =	sld [smem:$0x3F9B];
	s0 =	simm.s32 @p0 $0x1  }
0x13: {  	[smem:$0x3FB6] =	sst s0;
	s0 =	simm.s32 @!p1 $0x0  }
0x14: {  	s2 =	sld [smem:$0x3F9A];
	s0 =	simm.s32 @p1 $0x1  }
0x15: {  	[smem:$0x3FB7] =	sst s0;
	s0 =	simm.s32 @!p2 $0x0  }
0x16: {  	s3 =	sld [smem:$0x3FDB];
	s0 =	simm.s32 @p2 $0x1  }
0x17: {  	s4 =	simm.s32 $0x1BF5;
	[smem:$0x3FB9] =	sst s0  }
0x18: {  	s0 =	sld [smem:$0x3F9C];
	_ =	swait.ge [sflag:s4], $0x0  }
0x19: {  	s7 =	sld [smem:$0x3F9D]  }
0x1a: {  	s8 =	sadd.s32 $0xFFFFE003, lr  }
0x1b: {  	s9 =	sadd.s32 $0xFFFFFEF7, lr;
	s5 =	simm.s32 $0xFFFFFFFF;
	p2 =	slt.u32 s8, $0xFFFFF086  }
0x1c: {  	p1 =	slt.u32 s9, $0xF7A;
	s5 =	simm.s32 @!p2 $0x0  }
0x1d: {  	s5 =	simm.s32 @p1 $0x1;
	p0 =	seq.s32 s7, s2  }
0x1e: {  	s7 =	smul.u32 @!p0 $0xF7A, s2;
	p2 =	seq.s32 @!p0 s5, $0x0  }
0x1f: {  	s9 =	smul.u32 $0xF7A, s1;
	s8 =	simm.s32 @!p0 $0x1BF5;
	p2 =	por !p2, p0  }
0x20: {  	[sflag:s8] =	ssyncset.s32 @!p0 $0xFFFFF086;
	s6 =	sadd.s32 @!p0 s3, s7;
	s7 =	simm.s32 @!p0 $0x108  }
0x21: {  	s3 =	sadd.s32 s3, s9;
	s6 =	sadd.s32 @!p0 $0x88, s6;
	s7 =	simm.s32 @p2 $0x1082  }
0x22: {  	[simem:s7], [sflag:s8] =	dma.local @!p0 [hbm:s6], $0xF7A  }
0x23: {  	s9 =	sor.u32 $0xD0000000, s2;
	s6 =	simm.s32 $0x108;
	_ =	swait.ge @!p0 [sflag:s8], $0x0  }
0x24: {  	s3 =	sadd.s32 $0x88, s3;
	s6 =	simm.s32 @!p1 $0x1082;
	[sflag:s4] =	ssyncset.s32 $0xFFFFF086  }
0x25: {  	[simem:s6], [sflag:s4] =	dma.local [hbm:s3], $0xF7A  }
0x26: {  	[smem:$0x3F9D] =	sst s1;
	(tag) =	ssettag s2;
	_ =	strace s9  }
0x27: {  	s1 =	sld [smem:$0x3FAD]  }
0x28: {  	s2 =	sld [smem:$0x3FAE]  }
0x29: {  	s4 =	sld [smem:$0x3FB0]  }
0x2a: {  	p0 =	seq.s32 s5, $0x0;
	s5 =	sld [smem:$0x3FB1]  }
0x2b: {  	s6 =	sld [smem:$0x3FB2]  }
0x2c: {  	s7 =	sld [smem:$0x3FB3]  }
0x2d: {  	s3 =	simm.s32 $0x108;
	s8 =	sld [smem:$0x3FB4]  }
0x2e: {  	s3 =	simm.s32 @!p0 $0x1082;
	s9 =	sld [smem:$0x3FB5]  }
0x2f: {  	lr =	sadd.s32 s0, s3;
	s0 =	sld [smem:$0x3FAC]  }
0x30: {  	s3 =	sld [smem:$0x3FAF]  }
0x31: {  	[smem:$0x3FB8] =	sst s10  }
0x32: {  	s10 =	sld [smem:$0x3FB6];
	_ =	sdelay $0x3  }
0x33: {  	p0 =	seq.s32 s10, $0x1;
	s10 =	sld [smem:$0x3FB8];
	_ =	sdelay $0x3  }
0x34: {  	[smem:$0x3FB8] =	sst s10  }
0x35: {  	s10 =	sld [smem:$0x3FB7];
	_ =	sdelay $0x3  }
0x36: {  	p1 =	seq.s32 s10, $0x1;
	s10 =	sld [smem:$0x3FB8];
	_ =	sdelay $0x3  }
0x37: {  	[smem:$0x3FB8] =	sst s10  }
0x38: {  	s10 =	sld [smem:$0x3FB9]  }
0x39: {  	_ = 	snop;
	(pc) =	sbr.ind lr, $3  }
0x3a: {  	_ = 	snop  }
0x3b: {  	_ = 	snop  }
0x3c: {  	p2 =	seq.s32 s10, $0x1;
	s10 =	sld [smem:$0x3FB8]  }
0x3d: {  	_ =	shalt  }
0x3e: {  	_ =	shalt  }
0x3f: {  	_ =	shalt  }
0x40: {  	_ =	shalt  }
0x41: {  	_ =	shalt  }
0x42: {  	_ =	shalt  }
0x43: {  	_ =	shalt  }
0x44: {  	_ =	shalt  }
0x45: {  	_ =	shalt  }
0x46: {  	_ =	shalt  }
0x47: {  	_ =	shalt  }
0x48: {  	_ =	shalt  }
0x49: {  	_ =	shalt  }
0x4a: {  	_ =	shalt  }
0x4b: {  	_ =	shalt  }
0x4c: {  	_ =	shalt  }
0x4d: {  	_ =	shalt  }
0x4e: {  	_ =	shalt  }
0x4f: {  	_ =	shalt  }
0x50: {  	_ =	shalt  }
0x51: {  	_ =	shalt  }
0x52: {  	_ =	shalt  }
0x53: {  	_ =	shalt  }
0x54: {  	_ =	shalt  }
0x55: {  	_ =	shalt  }
0x56: {  	_ =	shalt  }
0x57: {  	_ =	shalt  }
0x58: {  	_ =	shalt  }
0x59: {  	_ =	shalt  }
0x5a: {  	_ =	shalt  }
0x5b: {  	_ =	shalt  }
0x5c: {  	_ =	shalt  }
0x5d: {  	_ =	shalt  }
0x5e: {  	_ =	shalt  }
0x5f: {  	_ =	shalt  }
0x60: {  	_ =	shalt  }
0x61: {  	_ =	shalt  }
0x62: {  	_ =	shalt  }
0x63: {  	_ =	shalt  }
0x64: {  	_ =	shalt  }
0x65: {  	_ =	shalt  }
0x66: {  	_ =	shalt  }
0x67: {  	_ =	shalt  }
0x68: {  	_ =	shalt  }
0x69: {  	_ =	shalt  }
0x6a: {  	_ =	shalt  }
0x6b: {  	_ =	shalt  }
0x6c: {  	_ =	shalt  }
0x6d: {  	_ =	shalt  }
0x6e: {  	_ =	shalt  }
0x6f: {  	_ =	shalt  }
0x70: {  	_ =	shalt  }
0x71: {  	_ =	shalt  }
0x72: {  	_ =	shalt  }
0x73: {  	_ =	shalt  }
0x74: {  	_ =	shalt  }
0x75: {  	_ =	shalt  }
0x76: {  	_ =	shalt  }
0x77: {  	_ =	shalt  }
0x78: {  	_ =	shalt  }
0x79: {  	_ =	shalt  }
0x7a: {  	_ =	shalt  }
0x7b: {  	_ =	shalt  }
0x7c: {  	_ =	shalt  }
0x7d: {  	_ =	shalt  }
0x7e: {  	_ =	shalt  }
0x7f: {  	_ =	shalt  }
0x80: {  	_ =	shalt  }
0x81: {  	_ =	shalt  }
0x82: {  	_ =	shalt  }
0x83: {  	_ =	shalt  }
0x84: {  	_ =	shalt  }
0x85: {  	_ =	shalt  }
0x86: {  	_ =	shalt  }
0x87: {  	_ =	shalt  }
.Lfunc_end0:
.L_simem_size_0:
called_computation_lowered:
.L_overlay_start_0:
0x88: {  	s2 =	sld [smem:$0x3FD9]  }
0x89: {  	s3 =	sld [smem:$0x3FFE];
	_ =	sdelay $0x1  }
0x8a: {  	s1 =	srdreg.scid  }
0x8b: {  	s0 =	sand.u32 $0x1, s1  }
0x8c: {  	s17 =	sshll.u32 s0, $0xA;
	s2 =	sadd.s32 s3, s2  }
0x8d: {  	s2 =	sadd.s32 s2, s17  }
0x8e: {  	[smem:$0x3FC4] =	sst s2  }
0x8f: {  	_ = 	snop  }
0x90: {  	s2 =	sld [smem:$0x3FC9]  }
0x91: {  	s18 =	sld [smem:$0x3FD0];
	(tm) =	ssettm $0x1  }
0x92: {  	s4 =	sld [smem:$0x3FFB];
	_ =	sdelay $0x3  }
0x93: {  	_ =	strace s4  }
0x94: {  	s4 =	sld [smem:$0x3FFC];
	_ =	sdelay $0x3  }
0x95: {  	_ =	strace s4  }
0x96: {  	s4 =	sld [smem:$0x3FFD];
	_ =	sdelay $0x3  }
0x97: {  	_ =	strace s4  }
0x98: {  	_ =	strace $0x8FFFFFFF  }
0x99: {  	s19 =	sld [smem:$0x3FDB];
	_ =	sdelay $0x1  }
0x9a: {  	s5 =	simm.s32 $_scs_section_size  }
0x9b: {  	s6 =	simm.s32 $_size__tile_overlayer_lowered;
	s7 =	simm.s32 $_tile_overlayer_lowered  }
0x9c: {  	s22 =	simm.s32 $0x1BFF;
	s21 =	sshll.u32 s7, $0x1;
	s4 =	sadd.s32 s5, s19  }
0x9d: {  	s8 =	simm.s32 $0x0;
	s20 =	sshll.u32 s6, $0x1;
	s6 =	sadd.s32 s21, s4  }
0x9e: {  	[timem:s8], [sflag:s22] =	dma.local [hbm:s6], s20  }
0x9f: {  	_ =	swait.ge [sflag:s22], s20  }
0xa0: {  	s5 =	ssub.s32 $0x0, s20;
	[sflag:s22] =	ssyncset.done $0x0  }
0xa1: {  	[sflag:s22] =	ssyncadd.s32 s5;
	_ =	sdelay $0x1  }
0xa2: {  	s23 =	simm.s32 $0x1B8B  }
0xa3: {  	_ =	swait.ge [sflag:s23], $0x1  }
0xa4: {  	[sflag:s23] =	ssyncset.done $0x0  }
0xa5: {  	s25 =	simm.s32 $0x1B8E;
	s24 =	sld [smem:$0x3FFE];
	[sflag:s23] =	ssyncadd.s32 $0xFFFFFFFF  }
0xa6: {  	s26 =	simm.s32 $execute0_lowered;
	[smem:$0x3FD2] =	sst s25  }
0xa7: {  	s6 =	sshll.u32 s26, $0x1;
	_ =	strace $0x80000046;
	[dreg:$0x1] =	wrdreg $0xFFFFFFFF  }
0xa8: {  	s28 =	simm.s32 $_size_execute0_lowered;
	s4 =	sadd.s32 s4, s6;
	[dreg:$0x0] =	wrdreg $0x0  }
0xa9: {  	s6 =	sshll.u32 s28, $0x1;
	[dreg:$0x2] =	wrdreg s4  }
0xaa: {  	[dreg:$0x3] =	wrdreg s6  }
0xab: {  	[dreg:$0x4] =	wrdreg $0xC0  }
0xac: {  	_ =	task [dreg:s8], $0x5FFFF  }
0xad: {  	[dreg:$0x1] =	wrdreg $0xFFFFFFFF  }
0xae: {  	[dreg:$0x0] =	wrdreg $0x60  }
0xaf: {  	[dreg:$0x2] =	wrdreg s2  }
0xb0: {  	[dreg:$0x3] =	wrdreg s18  }
0xb1: {  	[dreg:$0x4] =	wrdreg s24  }
0xb2: {  	[dreg:$0x5] =	wrdreg $0x9  }
0xb3: {  	_ =	task.clear_ibuf [dreg:s8], $0x6FFFF;
	_ =	strace $0x90000046  }
0xb4: {  	s29 =	simm.s32 $0x9;
	_ =	strace $0x80000048  }
0xb5: {  	_ =	swait.ge [sflag:s29], $0x1  }
0xb6: {  	[sflag:s29] =	ssyncadd.s32 $0xFFFFFFFF  }
0xb7: {  	_ =	strace $0x90000048  }
0xb8: {  	_ =	sfence  }
0xb9: {  	s30 =	sld [smem:$0x0];
	_ =	sdelay $0x2  }
0xba: {  	s31 =	sshll.u32 s1, $0xD;
	s1 =	sshrl.u32 s1, $0x2  }
0xbb: {  	s3 =	sand.u32 $0x4000, s31;
	s1 =	sadd.s32 s1, s30  }
0xbc: {  	s0 =	sor.u32 s3, s0;
	s1 =	sshll.u32 s1, $0x11  }
0xbd: {  	s0 =	sor.u32 s1, s0  }
0xbe: {  	s0 =	sadd.s32 $0x8F2B, s0  }
0xbf: {  	[sflag:s0] =	ssyncadd.remote.s32 $0x1  }
0xc0: {  	_ =	sfence.sel $0xFFFF  }
0xc1: {  	[dreg:$0x0] =	wrdreg $0xFFFFFFFF;
	(pc) =	sbr.abs _section_cstart, $3  }
0xc2: {  	[dreg:$0x1] =	wrdreg $0xFFFFFFFF  }
0xc3: {  	_ =	task.clear_ibuf [dreg:s8], $0x2FFFF;
	_ =	strace $0x9FFFFFFF  }
0xc4: {  	(tm) =	ssettm $0x7FFFFFFF  }
0xc5: {  	_ =	shalt  }
tec
execute0_lowered:
.L_overlay_start_1:
0x0: {  	(tag) =	ssettag $0x1  }
0x1: {  	s0 =	rddreg [dreg:$0x0]  }
0x2: {  	s1 =	rddreg [dreg:$0x1]  }
0x3: {  	s6 =	rddreg [dreg:$0x2]  }
0x4: {  	s2 =	srdreg.scid;
	s4 =	stileid.u32;
	s25 =	simm.s32 $0x10000  }
0x5: {  	s26 =	simm.s32 $0x10080;
	s19 =	simm.s32 $0x1800;
	s20 =	simm.s32 $0x2000  }
0x6: {  	s21 =	simm.s32 $0x2800;
	s28 =	simm.s32 $0x5800;
	s29 =	simm.s32 $0x6000  }
0x7: {  	s30 =	simm.s32 $0x6800;
	s31 =	simm.s32 $0x7000;
	s9 =	simm.s32 $0x8800  }
0x8: {  	s10 =	simm.s32 $0x9000;
	s11 =	simm.s32 $0x9800;
	s12 =	simm.s32 $0xA000  }
0x9: {  	s13 =	simm.s32 $0xA800;
	s14 =	simm.s32 $0xB000;
	s15 =	simm.s32 $0xB800  }
0xa: {  	s16 =	simm.s32 $0xC000;
	s3 =	sand.u32 $0x1, s2;
	s2 =	simm.s32 $0x0  }
0xb: {  	s4 =	sshll.u32 s4, $0x7;
	s5 =	sshll.u32 s3, $0x6;
	[smem:$0x7FF] =	sst s2  }
0xc: {  	s22 =	ssub.s32 $0x2, s3;
	s3 =	sadd.s32 $0x200, s6;
	s4 =	sor.u32 s5, s4  }
0xd: {  	_ =	strace $0x80000047;
	s8 =	sshrl.u32 s22, $0x1;
	[dreg:$0x7] =	wrdreg s25  }
0xe: {  	s5 =	sadd.s32 $0x400, s6;
	[dreg:$0x8] =	wrdreg s26;
	s25 =	simm.s32 $0x4800  }
0xf: {  	s26 =	simm.s32 $0x5000;
	s7 =	sshrl.u32 s4, $0x3;
	s4 =	sshll.u32 s4, $0x7  }
0x10: {  	s24 =	ssub.s32 s22, s8;
	s8 =	simm.s32 $0x2;
	s22 =	simm.s32 $0x3000  }
0x11: {  	s1 =	sadd.s32 s1, s7;
	s23 =	sadd.s32 s6, s7;
	s0 =	sadd.s32 s0, s4  }
0x12: {  	v2 =	vlaneseq.u32;
	s4 =	sadd.s32 $0x300, s6;
	s6 =	sadd.s32 $0x500, s6;
	[dreg:$0x4] =	wrdreg s1  }
0x13: {  	vm0 =	vmmov $0xffff;
	v1 =	vshrl.u32 v2, $0x3;
	s7 =	smax.u32 s24, $0x1;
	s24 =	simm.s32 $0x4000;
	[dreg:$0x5] =	wrdreg s23  }
0x14: {  	v0 =	vand.u32 $0x7, v2;
	v2 =	vor.u32 $0x8, v2;
	v1 =	vmul.u32 $0x8, v1;
	[dreg:$0x6] =	wrdreg s0;
	s23 =	simm.s32 $0x3800;
	s1 =	simm.s32 $0x8000  }
.LBB2_1:
0x15: {  	s17 =	rddreg [dreg:$0x4]  }
0x16: {  	s18 =	rddreg [dreg:$0x7]  }
0x17: {  	[tilespmem:s18], [sflag:$0x2] =	stream.linear.gather [hbm4b:s17+s2], $0x40, $0x38;
	[tilespmem:$0x10100] =	vst v63  }
0x18: {  	_ =	swait.ge [sflag:s8], $0x40  }
0x19: {  	s18 =	rddreg [dreg:$0x5];
	[sflag:s8] =	ssyncset.done $0x0  }
0x1a: {  	s0 =	rddreg [dreg:$0x8];
	[sflag:s8] =	ssyncadd.s32 $0xFFFFFFC0  }
0x1b: {  	[tilespmem:s0], [sflag:$0x2] =	stream.linear.gather [hbm4b:s18+s2], $0x40, $0x38;
	[tilespmem:$0x10100] =	vst v63  }
0x1c: {  	_ =	swait.ge [sflag:s8], $0x40  }
0x1d: {  	[sflag:s8] =	ssyncset.done $0x0  }
0x1e: {  	s0 =	rddreg [dreg:$0x6];
	[sflag:s8] =	ssyncadd.s32 $0xFFFFFFC0  }
0x1f: {  	[tilespmem:s2], [sflag:$0x2] =	stream.linear.gather [hbm4b:s0+s2], $0x10000, $0x38;
	[tilespmem:$0x10100] =	vst v63  }
0x20: {  	_ =	swait.ge [sflag:s8], $0x10000  }
0x21: {  	[sflag:s8] =	ssyncset.done $0x0  }
0x22: {  	[sflag:s8] =	ssyncadd.s32 $0xFFFF0000  }
0x23: {  	v3 =	vld [tilespmem:$0x10000];
	_ =	sdelay $0x4  }
0x24: {  	v4 =	vshll.u32 v3, $0x3  }
0x25: {  	v3 =	vand.u32 $0x7, v3;
	v4 =	vand.u32 $0xFFFFFFC0, v4  }
0x26: {  	v3 =	vor.u32 v3, v4  }
0x27: {  	v4 =	vperm.xlane v3, v0;
	_ =	sdelay $0x1  }
0x28: {  	v4 =	vadd.s32 v1, v4;
	_ =	sdelay $0x4  }
0x29: {  	[hbm4b:s3+s2] =	stream.indirect_vreg.scatter [tilespmem:s2], [sflag:$0x1], $0x80, v4, vm0, $0xb8;
	[tilespmem:$0x10100] =	vst v63  }
0x2a: {  	s17 =	simm.s32 $0x800;
	v3 =	vperm.xlane v3, v2  }
0x2b: {  	[hbm4b:s4+s2] =	stream.indirect_vreg.scatter [tilespmem:s17], [sflag:$0x1], $0x80, v4, vm0, $0xb8;
	[tilespmem:$0x10100] =	vst v63  }
0x2c: {  	s18 =	simm.s32 $0x1000;
	v3 =	vadd.s32 v1, v3  }
0x2d: {  	[hbm4b:s5+s2] =	stream.indirect_vreg.scatter [tilespmem:s18], [sflag:$0x1], $0x80, v4, vm0, $0xb8;
	[tilespmem:$0x10100] =	vst v63  }
0x2e: {  	_ = 	snop  }
0x2f: {  	[hbm4b:s6+s2] =	stream.indirect_vreg.scatter [tilespmem:s19], [sflag:$0x1], $0x80, v4, vm0, $0xb8;
	[tilespmem:$0x10100] =	vst v63  }
0x30: {  	_ = 	snop  }
0x31: {  	[hbm4b:s3+s2] =	stream.indirect_vreg.scatter [tilespmem:s20], [sflag:$0x1], $0x80, v3, vm0, $0xb8;
	[tilespmem:$0x10100] =	vst v63  }
0x32: {  	_ = 	snop  }
0x33: {  	[hbm4b:s4+s2] =	stream.indirect_vreg.scatter [tilespmem:s21], [sflag:$0x1], $0x80, v3, vm0, $0xb8;
	[tilespmem:$0x10100] =	vst v63  }
0x34: {  	_ = 	snop  }
0x35: {  	[hbm4b:s5+s2] =	stream.indirect_vreg.scatter [tilespmem:s22], [sflag:$0x1], $0x80, v3, vm0, $0xb8;
	[tilespmem:$0x10100] =	vst v63  }
0x36: {  	_ = 	snop  }
0x37: {  	[hbm4b:s6+s2] =	stream.indirect_vreg.scatter [tilespmem:s23], [sflag:$0x1], $0x80, v3, vm0, $0xb8;
	[tilespmem:$0x10100] =	vst v63  }
0x38: {  	v3 =	vld [tilespmem:$0x10010];
	_ =	sdelay $0x4  }
0x39: {  	v57 =	vshll.u32 v3, $0x3  }
0x3a: {  	v3 =	vand.u32 $0x7, v3;
	v4 =	vand.u32 $0xFFFFFFC0, v57  }
0x3b: {  	v3 =	vor.u32 v3, v4  }
0x3c: {  	v4 =	vperm.xlane v3, v0;
	_ =	sdelay $0x1  }
0x3d: {  	v4 =	vadd.s32 v1, v4;
	_ =	sdelay $0x4  }
0x3e: {  	[hbm4b:s3+s2] =	stream.indirect_vreg.scatter [tilespmem:s24], [sflag:$0x1], $0x80, v4, vm0, $0xb8;
	[tilespmem:$0x10100] =	vst v63  }
0x3f: {  	v3 =	vperm.xlane v3, v2  }
0x40: {  	[hbm4b:s4+s2] =	stream.indirect_vreg.scatter [tilespmem:s25], [sflag:$0x1], $0x80, v4, vm0, $0xb8;
	[tilespmem:$0x10100] =	vst v63  }
0x41: {  	v3 =	vadd.s32 v1, v3  }
0x42: {  	[hbm4b:s5+s2] =	stream.indirect_vreg.scatter [tilespmem:s26], [sflag:$0x1], $0x80, v4, vm0, $0xb8;
	[tilespmem:$0x10100] =	vst v63  }
0x43: {  	_ = 	snop  }
0x44: {  	[hbm4b:s6+s2] =	stream.indirect_vreg.scatter [tilespmem:s28], [sflag:$0x1], $0x80, v4, vm0, $0xb8;
	[tilespmem:$0x10100] =	vst v63  }
0x45: {  	_ = 	snop  }
0x46: {  	[hbm4b:s3+s2] =	stream.indirect_vreg.scatter [tilespmem:s29], [sflag:$0x1], $0x80, v3, vm0, $0xb8;
	[tilespmem:$0x10100] =	vst v63  }
0x47: {  	_ = 	snop  }
0x48: {  	[hbm4b:s4+s2] =	stream.indirect_vreg.scatter [tilespmem:s30], [sflag:$0x1], $0x80, v3, vm0, $0xb8;
	[tilespmem:$0x10100] =	vst v63  }
0x49: {  	_ = 	snop  }
0x4a: {  	[hbm4b:s5+s2] =	stream.indirect_vreg.scatter [tilespmem:s31], [sflag:$0x1], $0x80, v3, vm0, $0xb8;
	[tilespmem:$0x10100] =	vst v63  }
0x4b: {  	s0 =	simm.s32 $0x7800  }
0x4c: {  	[hbm4b:s6+s2] =	stream.indirect_vreg.scatter [tilespmem:s0], [sflag:$0x1], $0x80, v3, vm0, $0xb8;
	[tilespmem:$0x10100] =	vst v63  }
0x4d: {  	v3 =	vld [tilespmem:$0x10020];
	_ =	sdelay $0x4  }
0x4e: {  	v58 =	vshll.u32 v3, $0x3  }
0x4f: {  	v3 =	vand.u32 $0x7, v3;
	v4 =	vand.u32 $0xFFFFFFC0, v58  }
0x50: {  	v3 =	vor.u32 v3, v4  }
0x51: {  	v4 =	vperm.xlane v3, v0;
	_ =	sdelay $0x1  }
0x52: {  	v4 =	vadd.s32 v1, v4;
	_ =	sdelay $0x4  }
0x53: {  	[hbm4b:s3+s2] =	stream.indirect_vreg.scatter [tilespmem:s1], [sflag:$0x1], $0x80, v4, vm0, $0xb8;
	[tilespmem:$0x10100] =	vst v63  }
0x54: {  	v3 =	vperm.xlane v3, v2  }
0x55: {  	[hbm4b:s4+s2] =	stream.indirect_vreg.scatter [tilespmem:s9], [sflag:$0x1], $0x80, v4, vm0, $0xb8;
	[tilespmem:$0x10100] =	vst v63  }
0x56: {  	v3 =	vadd.s32 v1, v3  }
0x57: {  	[hbm4b:s5+s2] =	stream.indirect_vreg.scatter [tilespmem:s10], [sflag:$0x1], $0x80, v4, vm0, $0xb8;
	[tilespmem:$0x10100] =	vst v63  }
0x58: {  	_ = 	snop  }
0x59: {  	[hbm4b:s6+s2] =	stream.indirect_vreg.scatter [tilespmem:s11], [sflag:$0x1], $0x80, v4, vm0, $0xb8;
	[tilespmem:$0x10100] =	vst v63  }
0x5a: {  	_ = 	snop  }
0x5b: {  	[hbm4b:s3+s2] =	stream.indirect_vreg.scatter [tilespmem:s12], [sflag:$0x1], $0x80, v3, vm0, $0xb8;
	[tilespmem:$0x10100] =	vst v63  }
0x5c: {  	_ = 	snop  }
0x5d: {  	[hbm4b:s4+s2] =	stream.indirect_vreg.scatter [tilespmem:s13], [sflag:$0x1], $0x80, v3, vm0, $0xb8;
	[tilespmem:$0x10100] =	vst v63  }
0x5e: {  	_ = 	snop  }
0x5f: {  	[hbm4b:s5+s2] =	stream.indirect_vreg.scatter [tilespmem:s14], [sflag:$0x1], $0x80, v3, vm0, $0xb8;
	[tilespmem:$0x10100] =	vst v63  }
0x60: {  	_ = 	snop  }
0x61: {  	[hbm4b:s6+s2] =	stream.indirect_vreg.scatter [tilespmem:s15], [sflag:$0x1], $0x80, v3, vm0, $0xb8;
	[tilespmem:$0x10100] =	vst v63  }
0x62: {  	v3 =	vld [tilespmem:$0x10030];
	_ =	sdelay $0x4  }
0x63: {  	v59 =	vshll.u32 v3, $0x3  }
0x64: {  	v3 =	vand.u32 $0x7, v3;
	v4 =	vand.u32 $0xFFFFFFC0, v59  }
0x65: {  	v3 =	vor.u32 v3, v4  }
0x66: {  	v4 =	vperm.xlane v3, v0;
	_ =	sdelay $0x1  }
0x67: {  	v4 =	vadd.s32 v1, v4;
	_ =	sdelay $0x4  }
0x68: {  	[hbm4b:s3+s2] =	stream.indirect_vreg.scatter [tilespmem:s16], [sflag:$0x1], $0x80, v4, vm0, $0xb8;
	[tilespmem:$0x10100] =	vst v63  }
0x69: {  	s0 =	simm.s32 $0xC800;
	v3 =	vperm.xlane v3, v2  }
0x6a: {  	[hbm4b:s4+s2] =	stream.indirect_vreg.scatter [tilespmem:s0], [sflag:$0x1], $0x80, v4, vm0, $0xb8;
	[tilespmem:$0x10100] =	vst v63  }
0x6b: {  	v3 =	vadd.s32 v1, v3;
	s0 =	simm.s32 $0xD000  }
0x6c: {  	[hbm4b:s5+s2] =	stream.indirect_vreg.scatter [tilespmem:s0], [sflag:$0x1], $0x80, v4, vm0, $0xb8;
	[tilespmem:$0x10100] =	vst v63  }
0x6d: {  	s0 =	simm.s32 $0xD800  }
0x6e: {  	[hbm4b:s6+s2] =	stream.indirect_vreg.scatter [tilespmem:s0], [sflag:$0x1], $0x80, v4, vm0, $0xb8;
	[tilespmem:$0x10100] =	vst v63  }
0x6f: {  	s0 =	simm.s32 $0xE000  }
0x70: {  	[hbm4b:s3+s2] =	stream.indirect_vreg.scatter [tilespmem:s0], [sflag:$0x1], $0x80, v3, vm0, $0xb8;
	[tilespmem:$0x10100] =	vst v63  }
0x71: {  	s0 =	simm.s32 $0xE800  }
0x72: {  	[hbm4b:s4+s2] =	stream.indirect_vreg.scatter [tilespmem:s0], [sflag:$0x1], $0x80, v3, vm0, $0xb8;
	[tilespmem:$0x10100] =	vst v63  }
0x73: {  	s0 =	simm.s32 $0xF000  }
0x74: {  	[hbm4b:s5+s2] =	stream.indirect_vreg.scatter [tilespmem:s0], [sflag:$0x1], $0x80, v3, vm0, $0xb8;
	[tilespmem:$0x10100] =	vst v63  }
0x75: {  	s0 =	simm.s32 $0xF800  }
0x76: {  	[hbm4b:s6+s2] =	stream.indirect_vreg.scatter [tilespmem:s0], [sflag:$0x1], $0x80, v3, vm0, $0xb8;
	[tilespmem:$0x10100] =	vst v63  }
0x77: {  	v3 =	vld [tilespmem:$0x10080];
	_ =	sdelay $0x4  }
0x78: {  	v60 =	vshll.u32 v3, $0x3  }
0x79: {  	v3 =	vand.u32 $0x7, v3;
	v4 =	vand.u32 $0xFFFFFFC0, v60  }
0x7a: {  	v3 =	vor.u32 v3, v4  }
0x7b: {  	v4 =	vperm.xlane v3, v0;
	_ =	sdelay $0x1  }
0x7c: {  	v4 =	vadd.s32 v1, v4;
	_ =	sdelay $0x4  }
0x7d: {  	[hbm4b:s3+s2] =	stream.indirect_vreg.scatter [tilespmem:s2], [sflag:$0x1], $0x80, v4, vm0, $0xb8;
	[tilespmem:$0x10100] =	vst v63  }
0x7e: {  	v3 =	vperm.xlane v3, v2  }
0x7f: {  	[hbm4b:s4+s2] =	stream.indirect_vreg.scatter [tilespmem:s17], [sflag:$0x1], $0x80, v4, vm0, $0xb8;
	[tilespmem:$0x10100] =	vst v63  }
0x80: {  	v3 =	vadd.s32 v1, v3  }
0x81: {  	[hbm4b:s5+s2] =	stream.indirect_vreg.scatter [tilespmem:s18], [sflag:$0x1], $0x80, v4, vm0, $0xb8;
	[tilespmem:$0x10100] =	vst v63  }
0x82: {  	_ = 	snop  }
0x83: {  	[hbm4b:s6+s2] =	stream.indirect_vreg.scatter [tilespmem:s19], [sflag:$0x1], $0x80, v4, vm0, $0xb8;
	[tilespmem:$0x10100] =	vst v63  }
0x84: {  	_ = 	snop  }
0x85: {  	[hbm4b:s3+s2] =	stream.indirect_vreg.scatter [tilespmem:s20], [sflag:$0x1], $0x80, v3, vm0, $0xb8;
	[tilespmem:$0x10100] =	vst v63  }
0x86: {  	_ = 	snop  }
0x87: {  	[hbm4b:s4+s2] =	stream.indirect_vreg.scatter [tilespmem:s21], [sflag:$0x1], $0x80, v3, vm0, $0xb8;
	[tilespmem:$0x10100] =	vst v63  }
0x88: {  	_ = 	snop  }
0x89: {  	[hbm4b:s5+s2] =	stream.indirect_vreg.scatter [tilespmem:s22], [sflag:$0x1], $0x80, v3, vm0, $0xb8;
	[tilespmem:$0x10100] =	vst v63  }
0x8a: {  	_ = 	snop  }
0x8b: {  	[hbm4b:s6+s2] =	stream.indirect_vreg.scatter [tilespmem:s23], [sflag:$0x1], $0x80, v3, vm0, $0xb8;
	[tilespmem:$0x10100] =	vst v63  }
0x8c: {  	v3 =	vld [tilespmem:$0x10090];
	_ =	sdelay $0x4  }
0x8d: {  	v61 =	vshll.u32 v3, $0x3  }
0x8e: {  	v3 =	vand.u32 $0x7, v3;
	v4 =	vand.u32 $0xFFFFFFC0, v61  }
0x8f: {  	v3 =	vor.u32 v3, v4  }
0x90: {  	v4 =	vperm.xlane v3, v0;
	_ =	sdelay $0x1  }
0x91: {  	v4 =	vadd.s32 v1, v4;
	_ =	sdelay $0x4  }
0x92: {  	[hbm4b:s3+s2] =	stream.indirect_vreg.scatter [tilespmem:s24], [sflag:$0x1], $0x80, v4, vm0, $0xb8;
	[tilespmem:$0x10100] =	vst v63  }
0x93: {  	v3 =	vperm.xlane v3, v2  }
0x94: {  	[hbm4b:s4+s2] =	stream.indirect_vreg.scatter [tilespmem:s25], [sflag:$0x1], $0x80, v4, vm0, $0xb8;
	[tilespmem:$0x10100] =	vst v63  }
0x95: {  	v3 =	vadd.s32 v1, v3  }
0x96: {  	[hbm4b:s5+s2] =	stream.indirect_vreg.scatter [tilespmem:s26], [sflag:$0x1], $0x80, v4, vm0, $0xb8;
	[tilespmem:$0x10100] =	vst v63  }
0x97: {  	_ = 	snop  }
0x98: {  	[hbm4b:s6+s2] =	stream.indirect_vreg.scatter [tilespmem:s28], [sflag:$0x1], $0x80, v4, vm0, $0xb8;
	[tilespmem:$0x10100] =	vst v63  }
0x99: {  	_ = 	snop  }
0x9a: {  	[hbm4b:s3+s2] =	stream.indirect_vreg.scatter [tilespmem:s29], [sflag:$0x1], $0x80, v3, vm0, $0xb8;
	[tilespmem:$0x10100] =	vst v63  }
0x9b: {  	_ = 	snop  }
0x9c: {  	[hbm4b:s4+s2] =	stream.indirect_vreg.scatter [tilespmem:s30], [sflag:$0x1], $0x80, v3, vm0, $0xb8;
	[tilespmem:$0x10100] =	vst v63  }
0x9d: {  	_ = 	snop  }
0x9e: {  	[hbm4b:s5+s2] =	stream.indirect_vreg.scatter [tilespmem:s31], [sflag:$0x1], $0x80, v3, vm0, $0xb8;
	[tilespmem:$0x10100] =	vst v63  }
0x9f: {  	s18 =	simm.s32 $0x7800  }
0xa0: {  	[hbm4b:s6+s2] =	stream.indirect_vreg.scatter [tilespmem:s18], [sflag:$0x1], $0x80, v3, vm0, $0xb8;
	[tilespmem:$0x10100] =	vst v63  }
0xa1: {  	v3 =	vld [tilespmem:$0x100A0];
	_ =	sdelay $0x4  }
0xa2: {  	v62 =	vshll.u32 v3, $0x3  }
0xa3: {  	v3 =	vand.u32 $0x7, v3;
	v4 =	vand.u32 $0xFFFFFFC0, v62  }
0xa4: {  	v3 =	vor.u32 v3, v4  }
0xa5: {  	v4 =	vperm.xlane v3, v0;
	_ =	sdelay $0x1  }
0xa6: {  	v4 =	vadd.s32 v1, v4;
	_ =	sdelay $0x4  }
0xa7: {  	[hbm4b:s3+s2] =	stream.indirect_vreg.scatter [tilespmem:s1], [sflag:$0x1], $0x80, v4, vm0, $0xb8;
	[tilespmem:$0x10100] =	vst v63  }
0xa8: {  	v3 =	vperm.xlane v3, v2  }
0xa9: {  	[hbm4b:s4+s2] =	stream.indirect_vreg.scatter [tilespmem:s9], [sflag:$0x1], $0x80, v4, vm0, $0xb8;
	[tilespmem:$0x10100] =	vst v63  }
0xaa: {  	v3 =	vadd.s32 v1, v3  }
0xab: {  	[hbm4b:s5+s2] =	stream.indirect_vreg.scatter [tilespmem:s10], [sflag:$0x1], $0x80, v4, vm0, $0xb8;
	[tilespmem:$0x10100] =	vst v63  }
0xac: {  	_ = 	snop  }
0xad: {  	[hbm4b:s6+s2] =	stream.indirect_vreg.scatter [tilespmem:s11], [sflag:$0x1], $0x80, v4, vm0, $0xb8;
	[tilespmem:$0x10100] =	vst v63  }
0xae: {  	_ = 	snop  }
0xaf: {  	[hbm4b:s3+s2] =	stream.indirect_vreg.scatter [tilespmem:s12], [sflag:$0x1], $0x80, v3, vm0, $0xb8;
	[tilespmem:$0x10100] =	vst v63  }
0xb0: {  	_ = 	snop  }
0xb1: {  	[hbm4b:s4+s2] =	stream.indirect_vreg.scatter [tilespmem:s13], [sflag:$0x1], $0x80, v3, vm0, $0xb8;
	[tilespmem:$0x10100] =	vst v63  }
0xb2: {  	_ = 	snop  }
0xb3: {  	[hbm4b:s5+s2] =	stream.indirect_vreg.scatter [tilespmem:s14], [sflag:$0x1], $0x80, v3, vm0, $0xb8;
	[tilespmem:$0x10100] =	vst v63  }
0xb4: {  	_ = 	snop  }
0xb5: {  	[hbm4b:s6+s2] =	stream.indirect_vreg.scatter [tilespmem:s15], [sflag:$0x1], $0x80, v3, vm0, $0xb8;
	[tilespmem:$0x10100] =	vst v63  }
0xb6: {  	v3 =	vld [tilespmem:$0x100B0];
	_ =	sdelay $0x4  }
0xb7: {  	v63 =	vshll.u32 v3, $0x3  }
0xb8: {  	v3 =	vand.u32 $0x7, v3;
	v4 =	vand.u32 $0xFFFFFFC0, v63  }
0xb9: {  	v3 =	vor.u32 v3, v4  }
0xba: {  	v4 =	vperm.xlane v3, v0;
	_ =	sdelay $0x1  }
0xbb: {  	v4 =	vadd.s32 v1, v4;
	_ =	sdelay $0x4  }
0xbc: {  	[hbm4b:s3+s2] =	stream.indirect_vreg.scatter [tilespmem:s16], [sflag:$0x1], $0x80, v4, vm0, $0xb8;
	[tilespmem:$0x10100] =	vst v63  }
0xbd: {  	s17 =	simm.s32 $0xC800;
	v3 =	vperm.xlane v3, v2  }
0xbe: {  	[hbm4b:s4+s2] =	stream.indirect_vreg.scatter [tilespmem:s17], [sflag:$0x1], $0x80, v4, vm0, $0xb8;
	[tilespmem:$0x10100] =	vst v63  }
0xbf: {  	s18 =	simm.s32 $0xD000;
	v3 =	vadd.s32 v1, v3  }
0xc0: {  	[hbm4b:s5+s2] =	stream.indirect_vreg.scatter [tilespmem:s18], [sflag:$0x1], $0x80, v4, vm0, $0xb8;
	[tilespmem:$0x10100] =	vst v63  }
0xc1: {  	s17 =	simm.s32 $0xD800  }
0xc2: {  	[hbm4b:s6+s2] =	stream.indirect_vreg.scatter [tilespmem:s17], [sflag:$0x1], $0x80, v4, vm0, $0xb8;
	[tilespmem:$0x10100] =	vst v63  }
0xc3: {  	s18 =	simm.s32 $0xE000  }
0xc4: {  	[hbm4b:s3+s2] =	stream.indirect_vreg.scatter [tilespmem:s18], [sflag:$0x1], $0x80, v3, vm0, $0xb8;
	[tilespmem:$0x10100] =	vst v63  }
0xc5: {  	s17 =	simm.s32 $0xE800  }
0xc6: {  	[hbm4b:s4+s2] =	stream.indirect_vreg.scatter [tilespmem:s17], [sflag:$0x1], $0x80, v3, vm0, $0xb8;
	[tilespmem:$0x10100] =	vst v63  }
0xc7: {  	s18 =	simm.s32 $0xF000  }
0xc8: {  	[hbm4b:s5+s2] =	stream.indirect_vreg.scatter [tilespmem:s18], [sflag:$0x1], $0x80, v3, vm0, $0xb8;
	[tilespmem:$0x10100] =	vst v63  }
0xc9: {  	s17 =	simm.s32 $0xF800;
	s18 =	simm.s32 $0x1  }
0xca: {  	[hbm4b:s6+s2] =	stream.indirect_vreg.scatter [tilespmem:s17], [sflag:$0x1], $0x80, v3, vm0, $0xb8;
	[tilespmem:$0x10100] =	vst v63  }
0xcb: {  	p0 =	sne.s32 s7, $0x1;
	_ =	swait.ge [sflag:s18], $0x10000  }
.Ltmp0:
0xcc: {  	[sflag:s18] =	ssyncset.done $0x0;
	(pc) =	sbr.rel @p0 .LBB2_1-.Ltmp0, $4  }
0xcd: {  	[sflag:s18] =	ssyncadd.s32 $0xFFFF0000  }
0xce: {  	_ =	swait.ge [sflag:s18], $0x10000  }
0xcf: {  	[sflag:s18] =	ssyncset.done $0x0  }
0xd0: {  	s7 =	sadd.s32 $0xFFFFFFFF, s7;
	[sflag:s18] =	ssyncadd.s32 $0xFFFF0000  }
0xd1: {  	_ =	sfence.sel $0x180000  }
0xd2: {  	[bflag:$0x0] =	sbarrier.arrive $0xFFFF  }
0xd3: {  	_ =	strace $0x90000047  }
0xd4: {  	s0 =	stileid.u32;
	[bflag:$0x2] =	sbarrier.arrive $0xFFFF  }
0xd5: {  	p0 =	sne.s32 s0, $0x0;
	s0 =	rddreg [dreg:$0x3]  }
0xd6: {  	s0 =	sadd.s32 @!p0 $0x100000, s0  }
0xd7: {  	[sflag:s0] =	ssyncadd.tile.s32 @!p0 $0x1;
	_ =	shalt  }
.Lfunc_end2:
_tile_overlayer_lowered:
.L_overlay_start_2:
0xd8: {  	(tag) =	ssettag $0x2  }
0xd9: {  	s0 =	rddreg [dreg:$0x0];
	s2 =	stileid.u32  }
0xda: {  	s1 =	rddreg [dreg:$0x1];
	p0 =	sne.s32 s2, $0x0  }
0xdb: {  	s3 =	rddreg [dreg:$0x2];
	[bflag:$0x3] =	sbarrier.arrive $0xFFFF;
	s2 =	simm.s32 @!p0 $0x1C02  }
0xdc: {  	[timem:s3], [sflag:s2] =	dma.local @!p0 [hbm:s0], s1  }
0xdd: {  	s0 =	simm.s32 @!p0 $0x2  }
0xde: {  	_ =	swait.ge @!p0 [sflag:s0], s1  }
0xdf: {  	s1 =	ssub.s32 @!p0 $0x0, s1;
	[sflag:s0] =	ssyncset.done @!p0 $0x0  }
0xe0: {  	[sflag:s0] =	ssyncadd.s32 @!p0 s1  }
0xe1: {  	[bflag:$0x3] =	sbarrier.arrive $0xFFFF  }
0xe2: {  	_ =	shalt  }

</sc_bundles>
